<compile_context>
chip_gen: v7x
topology: tpu7x:2x2x1
jax: 0.10.2.dev20260603
libtpu: 0.0.44.dev20260713+nightly
codegen_flags: <defaults>
</compile_context>

<pallas_src>
import functools

import jax
import jax.numpy as jnp
from jax import lax
from jax.experimental import pallas as pl
from jax.experimental.pallas import tpu as pltpu
from jax.experimental.pallas import tpu_sc as plsc

B = 16384
F = 26
V = 100000

NC = 2
NS = 16
NW = NC * NS

CHUNK = (B * F) // NW
SEG = 128
NSEG = CHUNK // SEG
PERIOD_VECS = 13
NPERIOD = CHUNK // (PERIOD_VECS * 16)
FIRE = 8
LANES = 16


def _make_kernel():
  mesh = plsc.VectorSubcoreMesh(core_axis_name="c", subcore_axis_name="s")

  @functools.partial(
      pl.kernel,
      mesh=mesh,
      out_type=jax.ShapeDtypeStruct((B * F,), jnp.float32),
      scratch_types=[
          pltpu.VMEM((CHUNK,), jnp.int32),
          pltpu.VMEM((CHUNK,), jnp.float32),
          pltpu.VMEM((PERIOD_VECS * LANES,), jnp.int32),
          pltpu.SemaphoreType.DMA,
      ],
  )
  def emb_gather(x_hbm, table_hbm, out_hbm, idx_v, vals_v, off_v, sem):
    wid = lax.axis_index("s") * NC + lax.axis_index("c")
    base = wid * CHUNK

    pltpu.sync_copy(x_hbm.at[pl.ds(base, CHUNK)], idx_v)

    lane = lax.iota(jnp.int32, LANES)
    for p in range(PERIOD_VECS):
      pos = lane + (p * LANES)
      off_v[pl.ds(p * LANES, LANES)] = (pos % F) * V

    def add_period(p, carry):
      j0 = p * (PERIOD_VECS * LANES)
      for q in range(PERIOD_VECS):
        sl = pl.ds(j0 + q * LANES, LANES)
        idx_v[sl] = idx_v[sl] + off_v[pl.ds(q * LANES, LANES)]
      return carry
    lax.fori_loop(0, NPERIOD, add_period, 0)

    def gather_group(g, carry):
      s0 = g * FIRE
      copies = []
      for t in range(FIRE):
        sl = pl.ds((s0 + t) * SEG, SEG)
        copies.append(
            pltpu.async_copy(table_hbm.at[idx_v.at[sl]], vals_v.at[sl], sem))
      for cp in copies:
        cp.wait()
      return carry
    lax.fori_loop(0, NSEG // FIRE, gather_group, 0)

    pltpu.sync_copy(vals_v, out_hbm.at[pl.ds(base, CHUNK)])

  return emb_gather


_EMB_GATHER = _make_kernel()


@jax.jit
def kernel(x, tables):
  xf = x.reshape(B * F)
  tf = tables.reshape(F * V)
  out = _EMB_GATHER(xf, tf)
  return out.reshape(B, F)

# --- scband reference (transcript-rebuilt; emitter-appended) ---
"""Pipeline reference for scband-glm-embedding-cat-features-69655779606992 (READ-ONLY COPY).

The authoritative reference and input builder live on the scoring server;
editing this copy changes nothing except your own understanding.
"""

import jax, jax.numpy as jnp
import numpy as np

B = 16384   # batch
F = 26      # number of categorical features
V = 100000  # vocabulary size per feature (production-scale)


def setup_inputs(seed: int = 0) -> dict:
    key = jax.random.key(seed)
    kx, kt = jax.random.split(key)
    # pre-tokenized categorical indices (StringLookup output in the original model)
    x = jax.random.randint(kx, (B, F), 0, V, dtype=jnp.int32)
    # per-feature GLM beta tables, output_dim=1 -> stacked as [F, V, 1]
    tables = jax.random.normal(kt, (F, V, 1), dtype=jnp.float32)
    return {"x": x, "tables": tables}


def reference(x, tables):
    # Original: for each feature c, emb_c = Embedding_c(StringLookup_c(x[:, c]))  -> [B, 1]
    # then stack over features (axis=1) and squeeze last dim -> [B, F].
    # Here StringLookup is replaced by pre-tokenized integer ids in x.
    feat_idx = jnp.arange(tables.shape[0])[None, :]   # [1, F], broadcasts to [B, F]
    out = tables[feat_idx, x, 0]                      # gather: out[b, f] = tables[f, x[b, f], 0]
    return out

if __name__ == "__main__":
    import jax
    _d = setup_inputs()
    print(jax.jit(kernel)(*tuple(_d.values())))

</pallas_src>

<mosaic_0001>
#map = affine_map<(d0, d1) -> (0)>
module attributes {stable_mosaic.version = 14 : i64} {
  func.func @emb_gather(%arg0: i32, %arg1: i32, %arg2: memref<425984xi32, #tpu.memory_space<hbm>>, %arg3: memref<2600000xf32, #tpu.memory_space<hbm>>, %arg4: memref<425984xf32, #tpu.memory_space<hbm>>, %arg5: memref<13312xi32, #tpu.memory_space<vmem>>, %arg6: memref<13312xf32, #tpu.memory_space<vmem>>, %arg7: memref<208xi32, #tpu.memory_space<vmem>>, %arg8: memref<!tpu.dma_semaphore, #tpu.memory_space<semaphore_mem>>) attributes {dimension_semantics = [#tpu.dimension_semantics<core_parallel>, #tpu.dimension_semantics<subcore_parallel>], iteration_bounds = array<i64: 2, 16>, scalar_prefetch = 0 : i64, scratch_operands = 4 : i64, tpu.core_type = #tpu.core_type<sc_vector_subcore>, window_params = [{transform_indices = #map}, {transform_indices = #map}, {transform_indices = #map}]} {
    %mul3A = arith.constant 2 : i32
    %mul3A_0 = arith.muli %arg1, %mul3A : i32
    %add3A = arith.addi %mul3A_0, %arg0 : i32
    %mul3A_1 = arith.constant 13312 : i32
    %mul3A_2 = arith.muli %add3A, %mul3A_1 : i32
    "tpu.region"() ({
      %run_scoped3A = tpu.sem_alloc : memref<!tpu.dma_semaphore, #tpu.memory_space<semaphore_mem>>
      %dma_start3A = tpu.memref_slice %arg2[%mul3A_2] : memref<425984xi32, #tpu.memory_space<hbm>> -> memref<13312xi32, #tpu.memory_space<hbm>>
      %dma_start3A_422 = tpu.memref_slice %arg2[%mul3A_2] : memref<425984xi32, #tpu.memory_space<hbm>> -> memref<13312xi32, #tpu.memory_space<hbm>>
      tpu.enqueue_dma source(%dma_start3A_422 : memref<13312xi32, #tpu.memory_space<hbm>>) target(%arg5 : memref<13312xi32, #tpu.memory_space<vmem>>) target_semaphore(%run_scoped3A : memref<!tpu.dma_semaphore, #tpu.memory_space<semaphore_mem>>)
      %dma_wait3A = tpu.memref_slice %arg2[%mul3A_2] : memref<425984xi32, #tpu.memory_space<hbm>> -> memref<13312xi32, #tpu.memory_space<hbm>>
      %dma_wait3A_423 = tpu.memref_slice %arg2[%mul3A_2] : memref<425984xi32, #tpu.memory_space<hbm>> -> memref<13312xi32, #tpu.memory_space<hbm>>
      tpu.wait_dma2 semaphore(%run_scoped3A : memref<!tpu.dma_semaphore, #tpu.memory_space<semaphore_mem>>) src(%dma_wait3A_423 : memref<13312xi32, #tpu.memory_space<hbm>>) dst(%arg5 : memref<13312xi32, #tpu.memory_space<vmem>>)
      tpu.yield
    }) : () -> ()
    %iota3A = tpu.iota {dimensions = array<i32: 0>} : vector<16xi32>
    %add3A_3 = arith.constant 0 : i32
    %add3A_4 = vector.broadcast %add3A_3 : i32 to vector<16xi32>
    %add3A_5 = arith.addi %iota3A, %add3A_4 : vector<16xi32>
    %jit3A = arith.constant 26 : i32
    %eq3A = arith.constant 0 : i32
    %eq3A_6 = arith.cmpi eq, %jit3A, %eq3A : i32
    %jit3A_7 = arith.constant 1 : i32
    %select_n3A = arith.select %eq3A_6, %jit3A_7, %jit3A : i32
    %rem3A = vector.broadcast %select_n3A : i32 to vector<16xi32>
    %rem3A_8 = arith.remsi %add3A_5, %rem3A : vector<16xi32>
    %ne3A = arith.constant 0 : i32
    %ne3A_9 = vector.broadcast %ne3A : i32 to vector<16xi32>
    %ne3A_10 = arith.cmpi ne, %rem3A_8, %ne3A_9 : vector<16xi32>
    %lt3A = arith.constant 0 : i32
    %lt3A_11 = vector.broadcast %lt3A : i32 to vector<16xi32>
    %lt3A_12 = arith.cmpi slt, %rem3A_8, %lt3A_11 : vector<16xi32>
    %lt3A_13 = arith.constant 0 : i32
    %lt3A_14 = arith.cmpi slt, %select_n3A, %lt3A_13 : i32
    %ne3A_15 = vector.broadcast %lt3A_14 : i1 to vector<16xi1>
    %ne3A_16 = vector.broadcast %ne3A_15 : vector<16xi1> to vector<16xi1>
    %ne3A_17 = arith.xori %lt3A_12, %ne3A_16 : vector<16xi1>
    %and3A = arith.andi %ne3A_17, %ne3A_10 : vector<16xi1>
    %add3A_18 = vector.broadcast %select_n3A : i32 to vector<16xi32>
    %add3A_19 = arith.addi %rem3A_8, %add3A_18 : vector<16xi32>
    %select_n3A_20 = arith.select %and3A, %add3A_19, %rem3A_8 : vector<16xi1>, vector<16xi32>
    %mul3A_21 = arith.constant 100000 : i32
    %mul3A_22 = vector.broadcast %mul3A_21 : i32 to vector<16xi32>
    %mul3A_23 = arith.muli %select_n3A_20, %mul3A_22 : vector<16xi32>
    %swap3A = arith.constant 0 : index
    %swap3A_24 = tpu.vector_load %arg7[%swap3A] {strides = array<i32>} : memref<208xi32, #tpu.memory_space<vmem>>, vector<16xi32>,
    %swap3A_25 = vector.shape_cast %swap3A_24 : vector<16xi32> to vector<16xi32>
    %swap3A_26 = vector.shape_cast %mul3A_23 : vector<16xi32> to vector<16xi32>
    tpu.vector_store %arg7[%swap3A], %swap3A_26 {strides = array<i32>} : memref<208xi32, #tpu.memory_space<vmem>>, vector<16xi32>,
    %add3A_27 = arith.constant 16 : i32
    %add3A_28 = vector.broadcast %add3A_27 : i32 to vector<16xi32>
    %add3A_29 = arith.addi %iota3A, %add3A_28 : vector<16xi32>
    %jit3A_30 = arith.constant 26 : i32
    %eq3A_31 = arith.constant 0 : i32
    %eq3A_32 = arith.cmpi eq, %jit3A_30, %eq3A_31 : i32
    %jit3A_33 = arith.constant 1 : i32
    %select_n3A_34 = arith.select %eq3A_32, %jit3A_33, %jit3A_30 : i32
    %rem3A_35 = vector.broadcast %select_n3A_34 : i32 to vector<16xi32>
    %rem3A_36 = arith.remsi %add3A_29, %rem3A_35 : vector<16xi32>
    %ne3A_37 = arith.constant 0 : i32
    %ne3A_38 = vector.broadcast %ne3A_37 : i32 to vector<16xi32>
    %ne3A_39 = arith.cmpi ne, %rem3A_36, %ne3A_38 : vector<16xi32>
    %lt3A_40 = arith.constant 0 : i32
    %lt3A_41 = vector.broadcast %lt3A_40 : i32 to vector<16xi32>
    %lt3A_42 = arith.cmpi slt, %rem3A_36, %lt3A_41 : vector<16xi32>
    %lt3A_43 = arith.constant 0 : i32
    %lt3A_44 = arith.cmpi slt, %select_n3A_34, %lt3A_43 : i32
    %ne3A_45 = vector.broadcast %lt3A_44 : i1 to vector<16xi1>
    %ne3A_46 = vector.broadcast %ne3A_45 : vector<16xi1> to vector<16xi1>
    %ne3A_47 = arith.xori %lt3A_42, %ne3A_46 : vector<16xi1>
    %and3A_48 = arith.andi %ne3A_47, %ne3A_39 : vector<16xi1>
    %add3A_49 = vector.broadcast %select_n3A_34 : i32 to vector<16xi32>
    %add3A_50 = arith.addi %rem3A_36, %add3A_49 : vector<16xi32>
    %select_n3A_51 = arith.select %and3A_48, %add3A_50, %rem3A_36 : vector<16xi1>, vector<16xi32>
    %mul3A_52 = arith.constant 100000 : i32
    %mul3A_53 = vector.broadcast %mul3A_52 : i32 to vector<16xi32>
    %mul3A_54 = arith.muli %select_n3A_51, %mul3A_53 : vector<16xi32>
    %swap3A_55 = arith.constant 16 : index
    %swap3A_56 = tpu.vector_load %arg7[%swap3A_55] {strides = array<i32>} : memref<208xi32, #tpu.memory_space<vmem>>, vector<16xi32>,
    %swap3A_57 = vector.shape_cast %swap3A_56 : vector<16xi32> to vector<16xi32>
    %swap3A_58 = vector.shape_cast %mul3A_54 : vector<16xi32> to vector<16xi32>
    tpu.vector_store %arg7[%swap3A_55], %swap3A_58 {strides = array<i32>} : memref<208xi32, #tpu.memory_space<vmem>>, vector<16xi32>,
    %add3A_59 = arith.constant 32 : i32
    %add3A_60 = vector.broadcast %add3A_59 : i32 to vector<16xi32>
    %add3A_61 = arith.addi %iota3A, %add3A_60 : vector<16xi32>
    %jit3A_62 = arith.constant 26 : i32
    %eq3A_63 = arith.constant 0 : i32
    %eq3A_64 = arith.cmpi eq, %jit3A_62, %eq3A_63 : i32
    %jit3A_65 = arith.constant 1 : i32
    %select_n3A_66 = arith.select %eq3A_64, %jit3A_65, %jit3A_62 : i32
    %rem3A_67 = vector.broadcast %select_n3A_66 : i32 to vector<16xi32>
    %rem3A_68 = arith.remsi %add3A_61, %rem3A_67 : vector<16xi32>
    %ne3A_69 = arith.constant 0 : i32
    %ne3A_70 = vector.broadcast %ne3A_69 : i32 to vector<16xi32>
    %ne3A_71 = arith.cmpi ne, %rem3A_68, %ne3A_70 : vector<16xi32>
    %lt3A_72 = arith.constant 0 : i32
    %lt3A_73 = vector.broadcast %lt3A_72 : i32 to vector<16xi32>
    %lt3A_74 = arith.cmpi slt, %rem3A_68, %lt3A_73 : vector<16xi32>
    %lt3A_75 = arith.constant 0 : i32
    %lt3A_76 = arith.cmpi slt, %select_n3A_66, %lt3A_75 : i32
    %ne3A_77 = vector.broadcast %lt3A_76 : i1 to vector<16xi1>
    %ne3A_78 = vector.broadcast %ne3A_77 : vector<16xi1> to vector<16xi1>
    %ne3A_79 = arith.xori %lt3A_74, %ne3A_78 : vector<16xi1>
    %and3A_80 = arith.andi %ne3A_79, %ne3A_71 : vector<16xi1>
    %add3A_81 = vector.broadcast %select_n3A_66 : i32 to vector<16xi32>
    %add3A_82 = arith.addi %rem3A_68, %add3A_81 : vector<16xi32>
    %select_n3A_83 = arith.select %and3A_80, %add3A_82, %rem3A_68 : vector<16xi1>, vector<16xi32>
    %mul3A_84 = arith.constant 100000 : i32
    %mul3A_85 = vector.broadcast %mul3A_84 : i32 to vector<16xi32>
    %mul3A_86 = arith.muli %select_n3A_83, %mul3A_85 : vector<16xi32>
    %swap3A_87 = arith.constant 32 : index
    %swap3A_88 = tpu.vector_load %arg7[%swap3A_87] {strides = array<i32>} : memref<208xi32, #tpu.memory_space<vmem>>, vector<16xi32>,
    %swap3A_89 = vector.shape_cast %swap3A_88 : vector<16xi32> to vector<16xi32>
    %swap3A_90 = vector.shape_cast %mul3A_86 : vector<16xi32> to vector<16xi32>
    tpu.vector_store %arg7[%swap3A_87], %swap3A_90 {strides = array<i32>} : memref<208xi32, #tpu.memory_space<vmem>>, vector<16xi32>,
    %add3A_91 = arith.constant 48 : i32
    %add3A_92 = vector.broadcast %add3A_91 : i32 to vector<16xi32>
    %add3A_93 = arith.addi %iota3A, %add3A_92 : vector<16xi32>
    %jit3A_94 = arith.constant 26 : i32
    %eq3A_95 = arith.constant 0 : i32
    %eq3A_96 = arith.cmpi eq, %jit3A_94, %eq3A_95 : i32
    %jit3A_97 = arith.constant 1 : i32
    %select_n3A_98 = arith.select %eq3A_96, %jit3A_97, %jit3A_94 : i32
    %rem3A_99 = vector.broadcast %select_n3A_98 : i32 to vector<16xi32>
    %rem3A_100 = arith.remsi %add3A_93, %rem3A_99 : vector<16xi32>
    %ne3A_101 = arith.constant 0 : i32
    %ne3A_102 = vector.broadcast %ne3A_101 : i32 to vector<16xi32>
    %ne3A_103 = arith.cmpi ne, %rem3A_100, %ne3A_102 : vector<16xi32>
    %lt3A_104 = arith.constant 0 : i32
    %lt3A_105 = vector.broadcast %lt3A_104 : i32 to vector<16xi32>
    %lt3A_106 = arith.cmpi slt, %rem3A_100, %lt3A_105 : vector<16xi32>
    %lt3A_107 = arith.constant 0 : i32
    %lt3A_108 = arith.cmpi slt, %select_n3A_98, %lt3A_107 : i32
    %ne3A_109 = vector.broadcast %lt3A_108 : i1 to vector<16xi1>
    %ne3A_110 = vector.broadcast %ne3A_109 : vector<16xi1> to vector<16xi1>
    %ne3A_111 = arith.xori %lt3A_106, %ne3A_110 : vector<16xi1>
    %and3A_112 = arith.andi %ne3A_111, %ne3A_103 : vector<16xi1>
    %add3A_113 = vector.broadcast %select_n3A_98 : i32 to vector<16xi32>
    %add3A_114 = arith.addi %rem3A_100, %add3A_113 : vector<16xi32>
    %select_n3A_115 = arith.select %and3A_112, %add3A_114, %rem3A_100 : vector<16xi1>, vector<16xi32>
    %mul3A_116 = arith.constant 100000 : i32
    %mul3A_117 = vector.broadcast %mul3A_116 : i32 to vector<16xi32>
    %mul3A_118 = arith.muli %select_n3A_115, %mul3A_117 : vector<16xi32>
    %swap3A_119 = arith.constant 48 : index
    %swap3A_120 = tpu.vector_load %arg7[%swap3A_119] {strides = array<i32>} : memref<208xi32, #tpu.memory_space<vmem>>, vector<16xi32>,
    %swap3A_121 = vector.shape_cast %swap3A_120 : vector<16xi32> to vector<16xi32>
    %swap3A_122 = vector.shape_cast %mul3A_118 : vector<16xi32> to vector<16xi32>
    tpu.vector_store %arg7[%swap3A_119], %swap3A_122 {strides = array<i32>} : memref<208xi32, #tpu.memory_space<vmem>>, vector<16xi32>,
    %add3A_123 = arith.constant 64 : i32
    %add3A_124 = vector.broadcast %add3A_123 : i32 to vector<16xi32>
    %add3A_125 = arith.addi %iota3A, %add3A_124 : vector<16xi32>
    %jit3A_126 = arith.constant 26 : i32
    %eq3A_127 = arith.constant 0 : i32
    %eq3A_128 = arith.cmpi eq, %jit3A_126, %eq3A_127 : i32
    %jit3A_129 = arith.constant 1 : i32
    %select_n3A_130 = arith.select %eq3A_128, %jit3A_129, %jit3A_126 : i32
    %rem3A_131 = vector.broadcast %select_n3A_130 : i32 to vector<16xi32>
    %rem3A_132 = arith.remsi %add3A_125, %rem3A_131 : vector<16xi32>
    %ne3A_133 = arith.constant 0 : i32
    %ne3A_134 = vector.broadcast %ne3A_133 : i32 to vector<16xi32>
    %ne3A_135 = arith.cmpi ne, %rem3A_132, %ne3A_134 : vector<16xi32>
    %lt3A_136 = arith.constant 0 : i32
    %lt3A_137 = vector.broadcast %lt3A_136 : i32 to vector<16xi32>
    %lt3A_138 = arith.cmpi slt, %rem3A_132, %lt3A_137 : vector<16xi32>
    %lt3A_139 = arith.constant 0 : i32
    %lt3A_140 = arith.cmpi slt, %select_n3A_130, %lt3A_139 : i32
    %ne3A_141 = vector.broadcast %lt3A_140 : i1 to vector<16xi1>
    %ne3A_142 = vector.broadcast %ne3A_141 : vector<16xi1> to vector<16xi1>
    %ne3A_143 = arith.xori %lt3A_138, %ne3A_142 : vector<16xi1>
    %and3A_144 = arith.andi %ne3A_143, %ne3A_135 : vector<16xi1>
    %add3A_145 = vector.broadcast %select_n3A_130 : i32 to vector<16xi32>
    %add3A_146 = arith.addi %rem3A_132, %add3A_145 : vector<16xi32>
    %select_n3A_147 = arith.select %and3A_144, %add3A_146, %rem3A_132 : vector<16xi1>, vector<16xi32>
    %mul3A_148 = arith.constant 100000 : i32
    %mul3A_149 = vector.broadcast %mul3A_148 : i32 to vector<16xi32>
    %mul3A_150 = arith.muli %select_n3A_147, %mul3A_149 : vector<16xi32>
    %swap3A_151 = arith.constant 64 : index
    %swap3A_152 = tpu.vector_load %arg7[%swap3A_151] {strides = array<i32>} : memref<208xi32, #tpu.memory_space<vmem>>, vector<16xi32>,
    %swap3A_153 = vector.shape_cast %swap3A_152 : vector<16xi32> to vector<16xi32>
    %swap3A_154 = vector.shape_cast %mul3A_150 : vector<16xi32> to vector<16xi32>
    tpu.vector_store %arg7[%swap3A_151], %swap3A_154 {strides = array<i32>} : memref<208xi32, #tpu.memory_space<vmem>>, vector<16xi32>,
    %add3A_155 = arith.constant 80 : i32
    %add3A_156 = vector.broadcast %add3A_155 : i32 to vector<16xi32>
    %add3A_157 = arith.addi %iota3A, %add3A_156 : vector<16xi32>
    %jit3A_158 = arith.constant 26 : i32
    %eq3A_159 = arith.constant 0 : i32
    %eq3A_160 = arith.cmpi eq, %jit3A_158, %eq3A_159 : i32
    %jit3A_161 = arith.constant 1 : i32
    %select_n3A_162 = arith.select %eq3A_160, %jit3A_161, %jit3A_158 : i32
    %rem3A_163 = vector.broadcast %select_n3A_162 : i32 to vector<16xi32>
    %rem3A_164 = arith.remsi %add3A_157, %rem3A_163 : vector<16xi32>
    %ne3A_165 = arith.constant 0 : i32
    %ne3A_166 = vector.broadcast %ne3A_165 : i32 to vector<16xi32>
    %ne3A_167 = arith.cmpi ne, %rem3A_164, %ne3A_166 : vector<16xi32>
    %lt3A_168 = arith.constant 0 : i32
    %lt3A_169 = vector.broadcast %lt3A_168 : i32 to vector<16xi32>
    %lt3A_170 = arith.cmpi slt, %rem3A_164, %lt3A_169 : vector<16xi32>
    %lt3A_171 = arith.constant 0 : i32
    %lt3A_172 = arith.cmpi slt, %select_n3A_162, %lt3A_171 : i32
    %ne3A_173 = vector.broadcast %lt3A_172 : i1 to vector<16xi1>
    %ne3A_174 = vector.broadcast %ne3A_173 : vector<16xi1> to vector<16xi1>
    %ne3A_175 = arith.xori %lt3A_170, %ne3A_174 : vector<16xi1>
    %and3A_176 = arith.andi %ne3A_175, %ne3A_167 : vector<16xi1>
    %add3A_177 = vector.broadcast %select_n3A_162 : i32 to vector<16xi32>
    %add3A_178 = arith.addi %rem3A_164, %add3A_177 : vector<16xi32>
    %select_n3A_179 = arith.select %and3A_176, %add3A_178, %rem3A_164 : vector<16xi1>, vector<16xi32>
    %mul3A_180 = arith.constant 100000 : i32
    %mul3A_181 = vector.broadcast %mul3A_180 : i32 to vector<16xi32>
    %mul3A_182 = arith.muli %select_n3A_179, %mul3A_181 : vector<16xi32>
    %swap3A_183 = arith.constant 80 : index
    %swap3A_184 = tpu.vector_load %arg7[%swap3A_183] {strides = array<i32>} : memref<208xi32, #tpu.memory_space<vmem>>, vector<16xi32>,
    %swap3A_185 = vector.shape_cast %swap3A_184 : vector<16xi32> to vector<16xi32>
    %swap3A_186 = vector.shape_cast %mul3A_182 : vector<16xi32> to vector<16xi32>
    tpu.vector_store %arg7[%swap3A_183], %swap3A_186 {strides = array<i32>} : memref<208xi32, #tpu.memory_space<vmem>>, vector<16xi32>,
    %add3A_187 = arith.constant 96 : i32
    %add3A_188 = vector.broadcast %add3A_187 : i32 to vector<16xi32>
    %add3A_189 = arith.addi %iota3A, %add3A_188 : vector<16xi32>
    %jit3A_190 = arith.constant 26 : i32
    %eq3A_191 = arith.constant 0 : i32
    %eq3A_192 = arith.cmpi eq, %jit3A_190, %eq3A_191 : i32
    %jit3A_193 = arith.constant 1 : i32
    %select_n3A_194 = arith.select %eq3A_192, %jit3A_193, %jit3A_190 : i32
    %rem3A_195 = vector.broadcast %select_n3A_194 : i32 to vector<16xi32>
    %rem3A_196 = arith.remsi %add3A_189, %rem3A_195 : vector<16xi32>
    %ne3A_197 = arith.constant 0 : i32
    %ne3A_198 = vector.broadcast %ne3A_197 : i32 to vector<16xi32>
    %ne3A_199 = arith.cmpi ne, %rem3A_196, %ne3A_198 : vector<16xi32>
    %lt3A_200 = arith.constant 0 : i32
    %lt3A_201 = vector.broadcast %lt3A_200 : i32 to vector<16xi32>
    %lt3A_202 = arith.cmpi slt, %rem3A_196, %lt3A_201 : vector<16xi32>
    %lt3A_203 = arith.constant 0 : i32
    %lt3A_204 = arith.cmpi slt, %select_n3A_194, %lt3A_203 : i32
    %ne3A_205 = vector.broadcast %lt3A_204 : i1 to vector<16xi1>
    %ne3A_206 = vector.broadcast %ne3A_205 : vector<16xi1> to vector<16xi1>
    %ne3A_207 = arith.xori %lt3A_202, %ne3A_206 : vector<16xi1>
    %and3A_208 = arith.andi %ne3A_207, %ne3A_199 : vector<16xi1>
    %add3A_209 = vector.broadcast %select_n3A_194 : i32 to vector<16xi32>
    %add3A_210 = arith.addi %rem3A_196, %add3A_209 : vector<16xi32>
    %select_n3A_211 = arith.select %and3A_208, %add3A_210, %rem3A_196 : vector<16xi1>, vector<16xi32>
    %mul3A_212 = arith.constant 100000 : i32
    %mul3A_213 = vector.broadcast %mul3A_212 : i32 to vector<16xi32>
    %mul3A_214 = arith.muli %select_n3A_211, %mul3A_213 : vector<16xi32>
    %swap3A_215 = arith.constant 96 : index
    %swap3A_216 = tpu.vector_load %arg7[%swap3A_215] {strides = array<i32>} : memref<208xi32, #tpu.memory_space<vmem>>, vector<16xi32>,
    %swap3A_217 = vector.shape_cast %swap3A_216 : vector<16xi32> to vector<16xi32>
    %swap3A_218 = vector.shape_cast %mul3A_214 : vector<16xi32> to vector<16xi32>
    tpu.vector_store %arg7[%swap3A_215], %swap3A_218 {strides = array<i32>} : memref<208xi32, #tpu.memory_space<vmem>>, vector<16xi32>,
    %add3A_219 = arith.constant 112 : i32
    %add3A_220 = vector.broadcast %add3A_219 : i32 to vector<16xi32>
    %add3A_221 = arith.addi %iota3A, %add3A_220 : vector<16xi32>
    %jit3A_222 = arith.constant 26 : i32
    %eq3A_223 = arith.constant 0 : i32
    %eq3A_224 = arith.cmpi eq, %jit3A_222, %eq3A_223 : i32
    %jit3A_225 = arith.constant 1 : i32
    %select_n3A_226 = arith.select %eq3A_224, %jit3A_225, %jit3A_222 : i32
    %rem3A_227 = vector.broadcast %select_n3A_226 : i32 to vector<16xi32>
    %rem3A_228 = arith.remsi %add3A_221, %rem3A_227 : vector<16xi32>
    %ne3A_229 = arith.constant 0 : i32
    %ne3A_230 = vector.broadcast %ne3A_229 : i32 to vector<16xi32>
    %ne3A_231 = arith.cmpi ne, %rem3A_228, %ne3A_230 : vector<16xi32>
    %lt3A_232 = arith.constant 0 : i32
    %lt3A_233 = vector.broadcast %lt3A_232 : i32 to vector<16xi32>
    %lt3A_234 = arith.cmpi slt, %rem3A_228, %lt3A_233 : vector<16xi32>
    %lt3A_235 = arith.constant 0 : i32
    %lt3A_236 = arith.cmpi slt, %select_n3A_226, %lt3A_235 : i32
    %ne3A_237 = vector.broadcast %lt3A_236 : i1 to vector<16xi1>
    %ne3A_238 = vector.broadcast %ne3A_237 : vector<16xi1> to vector<16xi1>
    %ne3A_239 = arith.xori %lt3A_234, %ne3A_238 : vector<16xi1>
    %and3A_240 = arith.andi %ne3A_239, %ne3A_231 : vector<16xi1>
    %add3A_241 = vector.broadcast %select_n3A_226 : i32 to vector<16xi32>
    %add3A_242 = arith.addi %rem3A_228, %add3A_241 : vector<16xi32>
    %select_n3A_243 = arith.select %and3A_240, %add3A_242, %rem3A_228 : vector<16xi1>, vector<16xi32>
    %mul3A_244 = arith.constant 100000 : i32
    %mul3A_245 = vector.broadcast %mul3A_244 : i32 to vector<16xi32>
    %mul3A_246 = arith.muli %select_n3A_243, %mul3A_245 : vector<16xi32>
    %swap3A_247 = arith.constant 112 : index
    %swap3A_248 = tpu.vector_load %arg7[%swap3A_247] {strides = array<i32>} : memref<208xi32, #tpu.memory_space<vmem>>, vector<16xi32>,
    %swap3A_249 = vector.shape_cast %swap3A_248 : vector<16xi32> to vector<16xi32>
    %swap3A_250 = vector.shape_cast %mul3A_246 : vector<16xi32> to vector<16xi32>
    tpu.vector_store %arg7[%swap3A_247], %swap3A_250 {strides = array<i32>} : memref<208xi32, #tpu.memory_space<vmem>>, vector<16xi32>,
    %add3A_251 = arith.constant 128 : i32
    %add3A_252 = vector.broadcast %add3A_251 : i32 to vector<16xi32>
    %add3A_253 = arith.addi %iota3A, %add3A_252 : vector<16xi32>
    %jit3A_254 = arith.constant 26 : i32
    %eq3A_255 = arith.constant 0 : i32
    %eq3A_256 = arith.cmpi eq, %jit3A_254, %eq3A_255 : i32
    %jit3A_257 = arith.constant 1 : i32
    %select_n3A_258 = arith.select %eq3A_256, %jit3A_257, %jit3A_254 : i32
    %rem3A_259 = vector.broadcast %select_n3A_258 : i32 to vector<16xi32>
    %rem3A_260 = arith.remsi %add3A_253, %rem3A_259 : vector<16xi32>
    %ne3A_261 = arith.constant 0 : i32
    %ne3A_262 = vector.broadcast %ne3A_261 : i32 to vector<16xi32>
    %ne3A_263 = arith.cmpi ne, %rem3A_260, %ne3A_262 : vector<16xi32>
    %lt3A_264 = arith.constant 0 : i32
    %lt3A_265 = vector.broadcast %lt3A_264 : i32 to vector<16xi32>
    %lt3A_266 = arith.cmpi slt, %rem3A_260, %lt3A_265 : vector<16xi32>
    %lt3A_267 = arith.constant 0 : i32
    %lt3A_268 = arith.cmpi slt, %select_n3A_258, %lt3A_267 : i32
    %ne3A_269 = vector.broadcast %lt3A_268 : i1 to vector<16xi1>
    %ne3A_270 = vector.broadcast %ne3A_269 : vector<16xi1> to vector<16xi1>
    %ne3A_271 = arith.xori %lt3A_266, %ne3A_270 : vector<16xi1>
    %and3A_272 = arith.andi %ne3A_271, %ne3A_263 : vector<16xi1>
    %add3A_273 = vector.broadcast %select_n3A_258 : i32 to vector<16xi32>
    %add3A_274 = arith.addi %rem3A_260, %add3A_273 : vector<16xi32>
    %select_n3A_275 = arith.select %and3A_272, %add3A_274, %rem3A_260 : vector<16xi1>, vector<16xi32>
    %mul3A_276 = arith.constant 100000 : i32
    %mul3A_277 = vector.broadcast %mul3A_276 : i32 to vector<16xi32>
    %mul3A_278 = arith.muli %select_n3A_275, %mul3A_277 : vector<16xi32>
    %swap3A_279 = arith.constant 128 : index
    %swap3A_280 = tpu.vector_load %arg7[%swap3A_279] {strides = array<i32>} : memref<208xi32, #tpu.memory_space<vmem>>, vector<16xi32>,
    %swap3A_281 = vector.shape_cast %swap3A_280 : vector<16xi32> to vector<16xi32>
    %swap3A_282 = vector.shape_cast %mul3A_278 : vector<16xi32> to vector<16xi32>
    tpu.vector_store %arg7[%swap3A_279], %swap3A_282 {strides = array<i32>} : memref<208xi32, #tpu.memory_space<vmem>>, vector<16xi32>,
    %add3A_283 = arith.constant 144 : i32
    %add3A_284 = vector.broadcast %add3A_283 : i32 to vector<16xi32>
    %add3A_285 = arith.addi %iota3A, %add3A_284 : vector<16xi32>
    %jit3A_286 = arith.constant 26 : i32
    %eq3A_287 = arith.constant 0 : i32
    %eq3A_288 = arith.cmpi eq, %jit3A_286, %eq3A_287 : i32
    %jit3A_289 = arith.constant 1 : i32
    %select_n3A_290 = arith.select %eq3A_288, %jit3A_289, %jit3A_286 : i32
    %rem3A_291 = vector.broadcast %select_n3A_290 : i32 to vector<16xi32>
    %rem3A_292 = arith.remsi %add3A_285, %rem3A_291 : vector<16xi32>
    %ne3A_293 = arith.constant 0 : i32
    %ne3A_294 = vector.broadcast %ne3A_293 : i32 to vector<16xi32>
    %ne3A_295 = arith.cmpi ne, %rem3A_292, %ne3A_294 : vector<16xi32>
    %lt3A_296 = arith.constant 0 : i32
    %lt3A_297 = vector.broadcast %lt3A_296 : i32 to vector<16xi32>
    %lt3A_298 = arith.cmpi slt, %rem3A_292, %lt3A_297 : vector<16xi32>
    %lt3A_299 = arith.constant 0 : i32
    %lt3A_300 = arith.cmpi slt, %select_n3A_290, %lt3A_299 : i32
    %ne3A_301 = vector.broadcast %lt3A_300 : i1 to vector<16xi1>
    %ne3A_302 = vector.broadcast %ne3A_301 : vector<16xi1> to vector<16xi1>
    %ne3A_303 = arith.xori %lt3A_298, %ne3A_302 : vector<16xi1>
    %and3A_304 = arith.andi %ne3A_303, %ne3A_295 : vector<16xi1>
    %add3A_305 = vector.broadcast %select_n3A_290 : i32 to vector<16xi32>
    %add3A_306 = arith.addi %rem3A_292, %add3A_305 : vector<16xi32>
    %select_n3A_307 = arith.select %and3A_304, %add3A_306, %rem3A_292 : vector<16xi1>, vector<16xi32>
    %mul3A_308 = arith.constant 100000 : i32
    %mul3A_309 = vector.broadcast %mul3A_308 : i32 to vector<16xi32>
    %mul3A_310 = arith.muli %select_n3A_307, %mul3A_309 : vector<16xi32>
    %swap3A_311 = arith.constant 144 : index
    %swap3A_312 = tpu.vector_load %arg7[%swap3A_311] {strides = array<i32>} : memref<208xi32, #tpu.memory_space<vmem>>, vector<16xi32>,
    %swap3A_313 = vector.shape_cast %swap3A_312 : vector<16xi32> to vector<16xi32>
    %swap3A_314 = vector.shape_cast %mul3A_310 : vector<16xi32> to vector<16xi32>
    tpu.vector_store %arg7[%swap3A_311], %swap3A_314 {strides = array<i32>} : memref<208xi32, #tpu.memory_space<vmem>>, vector<16xi32>,
    %add3A_315 = arith.constant 160 : i32
    %add3A_316 = vector.broadcast %add3A_315 : i32 to vector<16xi32>
    %add3A_317 = arith.addi %iota3A, %add3A_316 : vector<16xi32>
    %jit3A_318 = arith.constant 26 : i32
    %eq3A_319 = arith.constant 0 : i32
    %eq3A_320 = arith.cmpi eq, %jit3A_318, %eq3A_319 : i32
    %jit3A_321 = arith.constant 1 : i32
    %select_n3A_322 = arith.select %eq3A_320, %jit3A_321, %jit3A_318 : i32
    %rem3A_323 = vector.broadcast %select_n3A_322 : i32 to vector<16xi32>
    %rem3A_324 = arith.remsi %add3A_317, %rem3A_323 : vector<16xi32>
    %ne3A_325 = arith.constant 0 : i32
    %ne3A_326 = vector.broadcast %ne3A_325 : i32 to vector<16xi32>
    %ne3A_327 = arith.cmpi ne, %rem3A_324, %ne3A_326 : vector<16xi32>
    %lt3A_328 = arith.constant 0 : i32
    %lt3A_329 = vector.broadcast %lt3A_328 : i32 to vector<16xi32>
    %lt3A_330 = arith.cmpi slt, %rem3A_324, %lt3A_329 : vector<16xi32>
    %lt3A_331 = arith.constant 0 : i32
    %lt3A_332 = arith.cmpi slt, %select_n3A_322, %lt3A_331 : i32
    %ne3A_333 = vector.broadcast %lt3A_332 : i1 to vector<16xi1>
    %ne3A_334 = vector.broadcast %ne3A_333 : vector<16xi1> to vector<16xi1>
    %ne3A_335 = arith.xori %lt3A_330, %ne3A_334 : vector<16xi1>
    %and3A_336 = arith.andi %ne3A_335, %ne3A_327 : vector<16xi1>
    %add3A_337 = vector.broadcast %select_n3A_322 : i32 to vector<16xi32>
    %add3A_338 = arith.addi %rem3A_324, %add3A_337 : vector<16xi32>
    %select_n3A_339 = arith.select %and3A_336, %add3A_338, %rem3A_324 : vector<16xi1>, vector<16xi32>
    %mul3A_340 = arith.constant 100000 : i32
    %mul3A_341 = vector.broadcast %mul3A_340 : i32 to vector<16xi32>
    %mul3A_342 = arith.muli %select_n3A_339, %mul3A_341 : vector<16xi32>
    %swap3A_343 = arith.constant 160 : index
    %swap3A_344 = tpu.vector_load %arg7[%swap3A_343] {strides = array<i32>} : memref<208xi32, #tpu.memory_space<vmem>>, vector<16xi32>,
    %swap3A_345 = vector.shape_cast %swap3A_344 : vector<16xi32> to vector<16xi32>
    %swap3A_346 = vector.shape_cast %mul3A_342 : vector<16xi32> to vector<16xi32>
    tpu.vector_store %arg7[%swap3A_343], %swap3A_346 {strides = array<i32>} : memref<208xi32, #tpu.memory_space<vmem>>, vector<16xi32>,
    %add3A_347 = arith.constant 176 : i32
    %add3A_348 = vector.broadcast %add3A_347 : i32 to vector<16xi32>
    %add3A_349 = arith.addi %iota3A, %add3A_348 : vector<16xi32>
    %jit3A_350 = arith.constant 26 : i32
    %eq3A_351 = arith.constant 0 : i32
    %eq3A_352 = arith.cmpi eq, %jit3A_350, %eq3A_351 : i32
    %jit3A_353 = arith.constant 1 : i32
    %select_n3A_354 = arith.select %eq3A_352, %jit3A_353, %jit3A_350 : i32
    %rem3A_355 = vector.broadcast %select_n3A_354 : i32 to vector<16xi32>
    %rem3A_356 = arith.remsi %add3A_349, %rem3A_355 : vector<16xi32>
    %ne3A_357 = arith.constant 0 : i32
    %ne3A_358 = vector.broadcast %ne3A_357 : i32 to vector<16xi32>
    %ne3A_359 = arith.cmpi ne, %rem3A_356, %ne3A_358 : vector<16xi32>
    %lt3A_360 = arith.constant 0 : i32
    %lt3A_361 = vector.broadcast %lt3A_360 : i32 to vector<16xi32>
    %lt3A_362 = arith.cmpi slt, %rem3A_356, %lt3A_361 : vector<16xi32>
    %lt3A_363 = arith.constant 0 : i32
    %lt3A_364 = arith.cmpi slt, %select_n3A_354, %lt3A_363 : i32
    %ne3A_365 = vector.broadcast %lt3A_364 : i1 to vector<16xi1>
    %ne3A_366 = vector.broadcast %ne3A_365 : vector<16xi1> to vector<16xi1>
    %ne3A_367 = arith.xori %lt3A_362, %ne3A_366 : vector<16xi1>
    %and3A_368 = arith.andi %ne3A_367, %ne3A_359 : vector<16xi1>
    %add3A_369 = vector.broadcast %select_n3A_354 : i32 to vector<16xi32>
    %add3A_370 = arith.addi %rem3A_356, %add3A_369 : vector<16xi32>
    %select_n3A_371 = arith.select %and3A_368, %add3A_370, %rem3A_356 : vector<16xi1>, vector<16xi32>
    %mul3A_372 = arith.constant 100000 : i32
    %mul3A_373 = vector.broadcast %mul3A_372 : i32 to vector<16xi32>
    %mul3A_374 = arith.muli %select_n3A_371, %mul3A_373 : vector<16xi32>
    %swap3A_375 = arith.constant 176 : index
    %swap3A_376 = tpu.vector_load %arg7[%swap3A_375] {strides = array<i32>} : memref<208xi32, #tpu.memory_space<vmem>>, vector<16xi32>,
    %swap3A_377 = vector.shape_cast %swap3A_376 : vector<16xi32> to vector<16xi32>
    %swap3A_378 = vector.shape_cast %mul3A_374 : vector<16xi32> to vector<16xi32>
    tpu.vector_store %arg7[%swap3A_375], %swap3A_378 {strides = array<i32>} : memref<208xi32, #tpu.memory_space<vmem>>, vector<16xi32>,
    %add3A_379 = arith.constant 192 : i32
    %add3A_380 = vector.broadcast %add3A_379 : i32 to vector<16xi32>
    %add3A_381 = arith.addi %iota3A, %add3A_380 : vector<16xi32>
    %jit3A_382 = arith.constant 26 : i32
    %eq3A_383 = arith.constant 0 : i32
    %eq3A_384 = arith.cmpi eq, %jit3A_382, %eq3A_383 : i32
    %jit3A_385 = arith.constant 1 : i32
    %select_n3A_386 = arith.select %eq3A_384, %jit3A_385, %jit3A_382 : i32
    %rem3A_387 = vector.broadcast %select_n3A_386 : i32 to vector<16xi32>
    %rem3A_388 = arith.remsi %add3A_381, %rem3A_387 : vector<16xi32>
    %ne3A_389 = arith.constant 0 : i32
    %ne3A_390 = vector.broadcast %ne3A_389 : i32 to vector<16xi32>
    %ne3A_391 = arith.cmpi ne, %rem3A_388, %ne3A_390 : vector<16xi32>
    %lt3A_392 = arith.constant 0 : i32
    %lt3A_393 = vector.broadcast %lt3A_392 : i32 to vector<16xi32>
    %lt3A_394 = arith.cmpi slt, %rem3A_388, %lt3A_393 : vector<16xi32>
    %lt3A_395 = arith.constant 0 : i32
    %lt3A_396 = arith.cmpi slt, %select_n3A_386, %lt3A_395 : i32
    %ne3A_397 = vector.broadcast %lt3A_396 : i1 to vector<16xi1>
    %ne3A_398 = vector.broadcast %ne3A_397 : vector<16xi1> to vector<16xi1>
    %ne3A_399 = arith.xori %lt3A_394, %ne3A_398 : vector<16xi1>
    %and3A_400 = arith.andi %ne3A_399, %ne3A_391 : vector<16xi1>
    %add3A_401 = vector.broadcast %select_n3A_386 : i32 to vector<16xi32>
    %add3A_402 = arith.addi %rem3A_388, %add3A_401 : vector<16xi32>
    %select_n3A_403 = arith.select %and3A_400, %add3A_402, %rem3A_388 : vector<16xi1>, vector<16xi32>
    %mul3A_404 = arith.constant 100000 : i32
    %mul3A_405 = vector.broadcast %mul3A_404 : i32 to vector<16xi32>
    %mul3A_406 = arith.muli %select_n3A_403, %mul3A_405 : vector<16xi32>
    %swap3A_407 = arith.constant 192 : index
    %swap3A_408 = tpu.vector_load %arg7[%swap3A_407] {strides = array<i32>} : memref<208xi32, #tpu.memory_space<vmem>>, vector<16xi32>,
    %swap3A_409 = vector.shape_cast %swap3A_408 : vector<16xi32> to vector<16xi32>
    %swap3A_410 = vector.shape_cast %mul3A_406 : vector<16xi32> to vector<16xi32>
    tpu.vector_store %arg7[%swap3A_407], %swap3A_410 {strides = array<i32>} : memref<208xi32, #tpu.memory_space<vmem>>, vector<16xi32>,
    %scan3A = arith.constant 0 : i32
    %scan3A_411 = arith.constant 0 : i32
    %scan3A_412 = arith.constant 64 : i32
    %scan3A_413 = arith.addi %scan3A_411, %scan3A_412 : i32
    %scan3A_414 = arith.constant 1 : i32
    scf.for %scan3A_422 = %scan3A_411 to %scan3A_413 step %scan3A_414  : i32 {
      %mul3A_423 = arith.constant 208 : i32
      %mul3A_424 = arith.muli %scan3A_422, %mul3A_423 : i32
      %add3A_425 = arith.constant 0 : i32
      %add3A_426 = arith.addi %mul3A_424, %add3A_425 : i32
      %get3A = arith.index_cast %add3A_426 : i32 to index
      %get3A_427 = tpu.vector_load %arg5[%get3A] {strides = array<i32>} : memref<13312xi32, #tpu.memory_space<vmem>>, vector<16xi32>,
      %get3A_428 = vector.shape_cast %get3A_427 : vector<16xi32> to vector<16xi32>
      %get3A_429 = arith.constant 0 : index
      %get3A_430 = tpu.vector_load %arg7[%get3A_429] {strides = array<i32>} : memref<208xi32, #tpu.memory_space<vmem>>, vector<16xi32>,
      %get3A_431 = vector.shape_cast %get3A_430 : vector<16xi32> to vector<16xi32>
      %add3A_432 = arith.addi %get3A_428, %get3A_431 : vector<16xi32>
      %swap3A_433 = arith.index_cast %add3A_426 : i32 to index
      %swap3A_434 = tpu.vector_load %arg5[%swap3A_433] {strides = array<i32>} : memref<13312xi32, #tpu.memory_space<vmem>>, vector<16xi32>,
      %swap3A_435 = vector.shape_cast %swap3A_434 : vector<16xi32> to vector<16xi32>
      %swap3A_436 = vector.shape_cast %add3A_432 : vector<16xi32> to vector<16xi32>
      tpu.vector_store %arg5[%swap3A_433], %swap3A_436 {strides = array<i32>} : memref<13312xi32, #tpu.memory_space<vmem>>, vector<16xi32>,
      %add3A_437 = arith.constant 16 : i32
      %add3A_438 = arith.addi %mul3A_424, %add3A_437 : i32
      %get3A_439 = arith.index_cast %add3A_438 : i32 to index
      %get3A_440 = tpu.vector_load %arg5[%get3A_439] {strides = array<i32>} : memref<13312xi32, #tpu.memory_space<vmem>>, vector<16xi32>,
      %get3A_441 = vector.shape_cast %get3A_440 : vector<16xi32> to vector<16xi32>
      %get3A_442 = arith.constant 16 : index
      %get3A_443 = tpu.vector_load %arg7[%get3A_442] {strides = array<i32>} : memref<208xi32, #tpu.memory_space<vmem>>, vector<16xi32>,
      %get3A_444 = vector.shape_cast %get3A_443 : vector<16xi32> to vector<16xi32>
      %add3A_445 = arith.addi %get3A_441, %get3A_444 : vector<16xi32>
      %swap3A_446 = arith.index_cast %add3A_438 : i32 to index
      %swap3A_447 = tpu.vector_load %arg5[%swap3A_446] {strides = array<i32>} : memref<13312xi32, #tpu.memory_space<vmem>>, vector<16xi32>,
      %swap3A_448 = vector.shape_cast %swap3A_447 : vector<16xi32> to vector<16xi32>
      %swap3A_449 = vector.shape_cast %add3A_445 : vector<16xi32> to vector<16xi32>
      tpu.vector_store %arg5[%swap3A_446], %swap3A_449 {strides = array<i32>} : memref<13312xi32, #tpu.memory_space<vmem>>, vector<16xi32>,
      %add3A_450 = arith.constant 32 : i32
      %add3A_451 = arith.addi %mul3A_424, %add3A_450 : i32
      %get3A_452 = arith.index_cast %add3A_451 : i32 to index
      %get3A_453 = tpu.vector_load %arg5[%get3A_452] {strides = array<i32>} : memref<13312xi32, #tpu.memory_space<vmem>>, vector<16xi32>,
      %get3A_454 = vector.shape_cast %get3A_453 : vector<16xi32> to vector<16xi32>
      %get3A_455 = arith.constant 32 : index
      %get3A_456 = tpu.vector_load %arg7[%get3A_455] {strides = array<i32>} : memref<208xi32, #tpu.memory_space<vmem>>, vector<16xi32>,
      %get3A_457 = vector.shape_cast %get3A_456 : vector<16xi32> to vector<16xi32>
      %add3A_458 = arith.addi %get3A_454, %get3A_457 : vector<16xi32>
      %swap3A_459 = arith.index_cast %add3A_451 : i32 to index
      %swap3A_460 = tpu.vector_load %arg5[%swap3A_459] {strides = array<i32>} : memref<13312xi32, #tpu.memory_space<vmem>>, vector<16xi32>,
      %swap3A_461 = vector.shape_cast %swap3A_460 : vector<16xi32> to vector<16xi32>
      %swap3A_462 = vector.shape_cast %add3A_458 : vector<16xi32> to vector<16xi32>
      tpu.vector_store %arg5[%swap3A_459], %swap3A_462 {strides = array<i32>} : memref<13312xi32, #tpu.memory_space<vmem>>, vector<16xi32>,
      %add3A_463 = arith.constant 48 : i32
      %add3A_464 = arith.addi %mul3A_424, %add3A_463 : i32
      %get3A_465 = arith.index_cast %add3A_464 : i32 to index
      %get3A_466 = tpu.vector_load %arg5[%get3A_465] {strides = array<i32>} : memref<13312xi32, #tpu.memory_space<vmem>>, vector<16xi32>,
      %get3A_467 = vector.shape_cast %get3A_466 : vector<16xi32> to vector<16xi32>
      %get3A_468 = arith.constant 48 : index
      %get3A_469 = tpu.vector_load %arg7[%get3A_468] {strides = array<i32>} : memref<208xi32, #tpu.memory_space<vmem>>, vector<16xi32>,
      %get3A_470 = vector.shape_cast %get3A_469 : vector<16xi32> to vector<16xi32>
      %add3A_471 = arith.addi %get3A_467, %get3A_470 : vector<16xi32>
      %swap3A_472 = arith.index_cast %add3A_464 : i32 to index
      %swap3A_473 = tpu.vector_load %arg5[%swap3A_472] {strides = array<i32>} : memref<13312xi32, #tpu.memory_space<vmem>>, vector<16xi32>,
      %swap3A_474 = vector.shape_cast %swap3A_473 : vector<16xi32> to vector<16xi32>
      %swap3A_475 = vector.shape_cast %add3A_471 : vector<16xi32> to vector<16xi32>
      tpu.vector_store %arg5[%swap3A_472], %swap3A_475 {strides = array<i32>} : memref<13312xi32, #tpu.memory_space<vmem>>, vector<16xi32>,
      %add3A_476 = arith.constant 64 : i32
      %add3A_477 = arith.addi %mul3A_424, %add3A_476 : i32
      %get3A_478 = arith.index_cast %add3A_477 : i32 to index
      %get3A_479 = tpu.vector_load %arg5[%get3A_478] {strides = array<i32>} : memref<13312xi32, #tpu.memory_space<vmem>>, vector<16xi32>,
      %get3A_480 = vector.shape_cast %get3A_479 : vector<16xi32> to vector<16xi32>
      %get3A_481 = arith.constant 64 : index
      %get3A_482 = tpu.vector_load %arg7[%get3A_481] {strides = array<i32>} : memref<208xi32, #tpu.memory_space<vmem>>, vector<16xi32>,
      %get3A_483 = vector.shape_cast %get3A_482 : vector<16xi32> to vector<16xi32>
      %add3A_484 = arith.addi %get3A_480, %get3A_483 : vector<16xi32>
      %swap3A_485 = arith.index_cast %add3A_477 : i32 to index
      %swap3A_486 = tpu.vector_load %arg5[%swap3A_485] {strides = array<i32>} : memref<13312xi32, #tpu.memory_space<vmem>>, vector<16xi32>,
      %swap3A_487 = vector.shape_cast %swap3A_486 : vector<16xi32> to vector<16xi32>
      %swap3A_488 = vector.shape_cast %add3A_484 : vector<16xi32> to vector<16xi32>
      tpu.vector_store %arg5[%swap3A_485], %swap3A_488 {strides = array<i32>} : memref<13312xi32, #tpu.memory_space<vmem>>, vector<16xi32>,
      %add3A_489 = arith.constant 80 : i32
      %add3A_490 = arith.addi %mul3A_424, %add3A_489 : i32
      %get3A_491 = arith.index_cast %add3A_490 : i32 to index
      %get3A_492 = tpu.vector_load %arg5[%get3A_491] {strides = array<i32>} : memref<13312xi32, #tpu.memory_space<vmem>>, vector<16xi32>,
      %get3A_493 = vector.shape_cast %get3A_492 : vector<16xi32> to vector<16xi32>
      %get3A_494 = arith.constant 80 : index
      %get3A_495 = tpu.vector_load %arg7[%get3A_494] {strides = array<i32>} : memref<208xi32, #tpu.memory_space<vmem>>, vector<16xi32>,
      %get3A_496 = vector.shape_cast %get3A_495 : vector<16xi32> to vector<16xi32>
      %add3A_497 = arith.addi %get3A_493, %get3A_496 : vector<16xi32>
      %swap3A_498 = arith.index_cast %add3A_490 : i32 to index
      %swap3A_499 = tpu.vector_load %arg5[%swap3A_498] {strides = array<i32>} : memref<13312xi32, #tpu.memory_space<vmem>>, vector<16xi32>,
      %swap3A_500 = vector.shape_cast %swap3A_499 : vector<16xi32> to vector<16xi32>
      %swap3A_501 = vector.shape_cast %add3A_497 : vector<16xi32> to vector<16xi32>
      tpu.vector_store %arg5[%swap3A_498], %swap3A_501 {strides = array<i32>} : memref<13312xi32, #tpu.memory_space<vmem>>, vector<16xi32>,
      %add3A_502 = arith.constant 96 : i32
      %add3A_503 = arith.addi %mul3A_424, %add3A_502 : i32
      %get3A_504 = arith.index_cast %add3A_503 : i32 to index
      %get3A_505 = tpu.vector_load %arg5[%get3A_504] {strides = array<i32>} : memref<13312xi32, #tpu.memory_space<vmem>>, vector<16xi32>,
      %get3A_506 = vector.shape_cast %get3A_505 : vector<16xi32> to vector<16xi32>
      %get3A_507 = arith.constant 96 : index
      %get3A_508 = tpu.vector_load %arg7[%get3A_507] {strides = array<i32>} : memref<208xi32, #tpu.memory_space<vmem>>, vector<16xi32>,
      %get3A_509 = vector.shape_cast %get3A_508 : vector<16xi32> to vector<16xi32>
      %add3A_510 = arith.addi %get3A_506, %get3A_509 : vector<16xi32>
      %swap3A_511 = arith.index_cast %add3A_503 : i32 to index
      %swap3A_512 = tpu.vector_load %arg5[%swap3A_511] {strides = array<i32>} : memref<13312xi32, #tpu.memory_space<vmem>>, vector<16xi32>,
      %swap3A_513 = vector.shape_cast %swap3A_512 : vector<16xi32> to vector<16xi32>
      %swap3A_514 = vector.shape_cast %add3A_510 : vector<16xi32> to vector<16xi32>
      tpu.vector_store %arg5[%swap3A_511], %swap3A_514 {strides = array<i32>} : memref<13312xi32, #tpu.memory_space<vmem>>, vector<16xi32>,
      %add3A_515 = arith.constant 112 : i32
      %add3A_516 = arith.addi %mul3A_424, %add3A_515 : i32
      %get3A_517 = arith.index_cast %add3A_516 : i32 to index
      %get3A_518 = tpu.vector_load %arg5[%get3A_517] {strides = array<i32>} : memref<13312xi32, #tpu.memory_space<vmem>>, vector<16xi32>,
      %get3A_519 = vector.shape_cast %get3A_518 : vector<16xi32> to vector<16xi32>
      %get3A_520 = arith.constant 112 : index
      %get3A_521 = tpu.vector_load %arg7[%get3A_520] {strides = array<i32>} : memref<208xi32, #tpu.memory_space<vmem>>, vector<16xi32>,
      %get3A_522 = vector.shape_cast %get3A_521 : vector<16xi32> to vector<16xi32>
      %add3A_523 = arith.addi %get3A_519, %get3A_522 : vector<16xi32>
      %swap3A_524 = arith.index_cast %add3A_516 : i32 to index
      %swap3A_525 = tpu.vector_load %arg5[%swap3A_524] {strides = array<i32>} : memref<13312xi32, #tpu.memory_space<vmem>>, vector<16xi32>,
      %swap3A_526 = vector.shape_cast %swap3A_525 : vector<16xi32> to vector<16xi32>
      %swap3A_527 = vector.shape_cast %add3A_523 : vector<16xi32> to vector<16xi32>
      tpu.vector_store %arg5[%swap3A_524], %swap3A_527 {strides = array<i32>} : memref<13312xi32, #tpu.memory_space<vmem>>, vector<16xi32>,
      %add3A_528 = arith.constant 128 : i32
      %add3A_529 = arith.addi %mul3A_424, %add3A_528 : i32
      %get3A_530 = arith.index_cast %add3A_529 : i32 to index
      %get3A_531 = tpu.vector_load %arg5[%get3A_530] {strides = array<i32>} : memref<13312xi32, #tpu.memory_space<vmem>>, vector<16xi32>,
      %get3A_532 = vector.shape_cast %get3A_531 : vector<16xi32> to vector<16xi32>
      %get3A_533 = arith.constant 128 : index
      %get3A_534 = tpu.vector_load %arg7[%get3A_533] {strides = array<i32>} : memref<208xi32, #tpu.memory_space<vmem>>, vector<16xi32>,
      %get3A_535 = vector.shape_cast %get3A_534 : vector<16xi32> to vector<16xi32>
      %add3A_536 = arith.addi %get3A_532, %get3A_535 : vector<16xi32>
      %swap3A_537 = arith.index_cast %add3A_529 : i32 to index
      %swap3A_538 = tpu.vector_load %arg5[%swap3A_537] {strides = array<i32>} : memref<13312xi32, #tpu.memory_space<vmem>>, vector<16xi32>,
      %swap3A_539 = vector.shape_cast %swap3A_538 : vector<16xi32> to vector<16xi32>
      %swap3A_540 = vector.shape_cast %add3A_536 : vector<16xi32> to vector<16xi32>
      tpu.vector_store %arg5[%swap3A_537], %swap3A_540 {strides = array<i32>} : memref<13312xi32, #tpu.memory_space<vmem>>, vector<16xi32>,
      %add3A_541 = arith.constant 144 : i32
      %add3A_542 = arith.addi %mul3A_424, %add3A_541 : i32
      %get3A_543 = arith.index_cast %add3A_542 : i32 to index
      %get3A_544 = tpu.vector_load %arg5[%get3A_543] {strides = array<i32>} : memref<13312xi32, #tpu.memory_space<vmem>>, vector<16xi32>,
      %get3A_545 = vector.shape_cast %get3A_544 : vector<16xi32> to vector<16xi32>
      %get3A_546 = arith.constant 144 : index
      %get3A_547 = tpu.vector_load %arg7[%get3A_546] {strides = array<i32>} : memref<208xi32, #tpu.memory_space<vmem>>, vector<16xi32>,
      %get3A_548 = vector.shape_cast %get3A_547 : vector<16xi32> to vector<16xi32>
      %add3A_549 = arith.addi %get3A_545, %get3A_548 : vector<16xi32>
      %swap3A_550 = arith.index_cast %add3A_542 : i32 to index
      %swap3A_551 = tpu.vector_load %arg5[%swap3A_550] {strides = array<i32>} : memref<13312xi32, #tpu.memory_space<vmem>>, vector<16xi32>,
      %swap3A_552 = vector.shape_cast %swap3A_551 : vector<16xi32> to vector<16xi32>
      %swap3A_553 = vector.shape_cast %add3A_549 : vector<16xi32> to vector<16xi32>
      tpu.vector_store %arg5[%swap3A_550], %swap3A_553 {strides = array<i32>} : memref<13312xi32, #tpu.memory_space<vmem>>, vector<16xi32>,
      %add3A_554 = arith.constant 160 : i32
      %add3A_555 = arith.addi %mul3A_424, %add3A_554 : i32
      %get3A_556 = arith.index_cast %add3A_555 : i32 to index
      %get3A_557 = tpu.vector_load %arg5[%get3A_556] {strides = array<i32>} : memref<13312xi32, #tpu.memory_space<vmem>>, vector<16xi32>,
      %get3A_558 = vector.shape_cast %get3A_557 : vector<16xi32> to vector<16xi32>
      %get3A_559 = arith.constant 160 : index
      %get3A_560 = tpu.vector_load %arg7[%get3A_559] {strides = array<i32>} : memref<208xi32, #tpu.memory_space<vmem>>, vector<16xi32>,
      %get3A_561 = vector.shape_cast %get3A_560 : vector<16xi32> to vector<16xi32>
      %add3A_562 = arith.addi %get3A_558, %get3A_561 : vector<16xi32>
      %swap3A_563 = arith.index_cast %add3A_555 : i32 to index
      %swap3A_564 = tpu.vector_load %arg5[%swap3A_563] {strides = array<i32>} : memref<13312xi32, #tpu.memory_space<vmem>>, vector<16xi32>,
      %swap3A_565 = vector.shape_cast %swap3A_564 : vector<16xi32> to vector<16xi32>
      %swap3A_566 = vector.shape_cast %add3A_562 : vector<16xi32> to vector<16xi32>
      tpu.vector_store %arg5[%swap3A_563], %swap3A_566 {strides = array<i32>} : memref<13312xi32, #tpu.memory_space<vmem>>, vector<16xi32>,
      %add3A_567 = arith.constant 176 : i32
      %add3A_568 = arith.addi %mul3A_424, %add3A_567 : i32
      %get3A_569 = arith.index_cast %add3A_568 : i32 to index
      %get3A_570 = tpu.vector_load %arg5[%get3A_569] {strides = array<i32>} : memref<13312xi32, #tpu.memory_space<vmem>>, vector<16xi32>,
      %get3A_571 = vector.shape_cast %get3A_570 : vector<16xi32> to vector<16xi32>
      %get3A_572 = arith.constant 176 : index
      %get3A_573 = tpu.vector_load %arg7[%get3A_572] {strides = array<i32>} : memref<208xi32, #tpu.memory_space<vmem>>, vector<16xi32>,
      %get3A_574 = vector.shape_cast %get3A_573 : vector<16xi32> to vector<16xi32>
      %add3A_575 = arith.addi %get3A_571, %get3A_574 : vector<16xi32>
      %swap3A_576 = arith.index_cast %add3A_568 : i32 to index
      %swap3A_577 = tpu.vector_load %arg5[%swap3A_576] {strides = array<i32>} : memref<13312xi32, #tpu.memory_space<vmem>>, vector<16xi32>,
      %swap3A_578 = vector.shape_cast %swap3A_577 : vector<16xi32> to vector<16xi32>
      %swap3A_579 = vector.shape_cast %add3A_575 : vector<16xi32> to vector<16xi32>
      tpu.vector_store %arg5[%swap3A_576], %swap3A_579 {strides = array<i32>} : memref<13312xi32, #tpu.memory_space<vmem>>, vector<16xi32>,
      %add3A_580 = arith.constant 192 : i32
      %add3A_581 = arith.addi %mul3A_424, %add3A_580 : i32
      %get3A_582 = arith.index_cast %add3A_581 : i32 to index
      %get3A_583 = tpu.vector_load %arg5[%get3A_582] {strides = array<i32>} : memref<13312xi32, #tpu.memory_space<vmem>>, vector<16xi32>,
      %get3A_584 = vector.shape_cast %get3A_583 : vector<16xi32> to vector<16xi32>
      %get3A_585 = arith.constant 192 : index
      %get3A_586 = tpu.vector_load %arg7[%get3A_585] {strides = array<i32>} : memref<208xi32, #tpu.memory_space<vmem>>, vector<16xi32>,
      %get3A_587 = vector.shape_cast %get3A_586 : vector<16xi32> to vector<16xi32>
      %add3A_588 = arith.addi %get3A_584, %get3A_587 : vector<16xi32>
      %swap3A_589 = arith.index_cast %add3A_581 : i32 to index
      %swap3A_590 = tpu.vector_load %arg5[%swap3A_589] {strides = array<i32>} : memref<13312xi32, #tpu.memory_space<vmem>>, vector<16xi32>,
      %swap3A_591 = vector.shape_cast %swap3A_590 : vector<16xi32> to vector<16xi32>
      %swap3A_592 = vector.shape_cast %add3A_588 : vector<16xi32> to vector<16xi32>
      tpu.vector_store %arg5[%swap3A_589], %swap3A_592 {strides = array<i32>} : memref<13312xi32, #tpu.memory_space<vmem>>, vector<16xi32>,
    }
    %scan3A_415 = arith.constant 64 : i32
    %scan3A_416 = arith.constant 0 : i32
    %scan3A_417 = arith.constant 0 : i32
    %scan3A_418 = arith.constant 13 : i32
    %scan3A_419 = arith.addi %scan3A_417, %scan3A_418 : i32
    %scan3A_420 = arith.constant 1 : i32
    scf.for %scan3A_422 = %scan3A_417 to %scan3A_419 step %scan3A_420  : i32 {
      %mul3A_423 = arith.constant 8 : i32
      %mul3A_424 = arith.muli %scan3A_422, %mul3A_423 : i32
      %add3A_425 = arith.constant 0 : i32
      %add3A_426 = arith.addi %mul3A_424, %add3A_425 : i32
      %mul3A_427 = arith.constant 128 : i32
      %mul3A_428 = arith.muli %add3A_426, %mul3A_427 : i32
      %dma_start3A = tpu.memref_slice %arg6[%mul3A_428] : memref<13312xf32, #tpu.memory_space<vmem>> -> memref<128xf32, #tpu.memory_space<vmem>>
      %dma_start3A_429 = tpu.memref_slice %arg5[%mul3A_428] : memref<13312xi32, #tpu.memory_space<vmem>> -> memref<128xi32, #tpu.memory_space<vmem>>
      %dma_start3A_430 = arith.constant 0 : i32
      %dma_start3A_431 = tpu.memref_slice %arg3[%dma_start3A_430] : memref<2600000xf32, #tpu.memory_space<hbm>> -> memref<2600000xf32, #tpu.memory_space<hbm>>
      tpu.enqueue_indirect_dma source(%dma_start3A_431 : memref<2600000xf32, #tpu.memory_space<hbm>>) target(%dma_start3A : memref<128xf32, #tpu.memory_space<vmem>>) offsets(%dma_start3A_429 : memref<128xi32, #tpu.memory_space<vmem>>) semaphore(%arg8 : memref<!tpu.dma_semaphore, #tpu.memory_space<semaphore_mem>>)
      %add3A_432 = arith.constant 1 : i32
      %add3A_433 = arith.addi %mul3A_424, %add3A_432 : i32
      %mul3A_434 = arith.constant 128 : i32
      %mul3A_435 = arith.muli %add3A_433, %mul3A_434 : i32
      %dma_start3A_436 = tpu.memref_slice %arg6[%mul3A_435] : memref<13312xf32, #tpu.memory_space<vmem>> -> memref<128xf32, #tpu.memory_space<vmem>>
      %dma_start3A_437 = tpu.memref_slice %arg5[%mul3A_435] : memref<13312xi32, #tpu.memory_space<vmem>> -> memref<128xi32, #tpu.memory_space<vmem>>
      %dma_start3A_438 = arith.constant 0 : i32
      %dma_start3A_439 = tpu.memref_slice %arg3[%dma_start3A_438] : memref<2600000xf32, #tpu.memory_space<hbm>> -> memref<2600000xf32, #tpu.memory_space<hbm>>
      tpu.enqueue_indirect_dma source(%dma_start3A_439 : memref<2600000xf32, #tpu.memory_space<hbm>>) target(%dma_start3A_436 : memref<128xf32, #tpu.memory_space<vmem>>) offsets(%dma_start3A_437 : memref<128xi32, #tpu.memory_space<vmem>>) semaphore(%arg8 : memref<!tpu.dma_semaphore, #tpu.memory_space<semaphore_mem>>)
      %add3A_440 = arith.constant 2 : i32
      %add3A_441 = arith.addi %mul3A_424, %add3A_440 : i32
      %mul3A_442 = arith.constant 128 : i32
      %mul3A_443 = arith.muli %add3A_441, %mul3A_442 : i32
      %dma_start3A_444 = tpu.memref_slice %arg6[%mul3A_443] : memref<13312xf32, #tpu.memory_space<vmem>> -> memref<128xf32, #tpu.memory_space<vmem>>
      %dma_start3A_445 = tpu.memref_slice %arg5[%mul3A_443] : memref<13312xi32, #tpu.memory_space<vmem>> -> memref<128xi32, #tpu.memory_space<vmem>>
      %dma_start3A_446 = arith.constant 0 : i32
      %dma_start3A_447 = tpu.memref_slice %arg3[%dma_start3A_446] : memref<2600000xf32, #tpu.memory_space<hbm>> -> memref<2600000xf32, #tpu.memory_space<hbm>>
      tpu.enqueue_indirect_dma source(%dma_start3A_447 : memref<2600000xf32, #tpu.memory_space<hbm>>) target(%dma_start3A_444 : memref<128xf32, #tpu.memory_space<vmem>>) offsets(%dma_start3A_445 : memref<128xi32, #tpu.memory_space<vmem>>) semaphore(%arg8 : memref<!tpu.dma_semaphore, #tpu.memory_space<semaphore_mem>>)
      %add3A_448 = arith.constant 3 : i32
      %add3A_449 = arith.addi %mul3A_424, %add3A_448 : i32
      %mul3A_450 = arith.constant 128 : i32
      %mul3A_451 = arith.muli %add3A_449, %mul3A_450 : i32
      %dma_start3A_452 = tpu.memref_slice %arg6[%mul3A_451] : memref<13312xf32, #tpu.memory_space<vmem>> -> memref<128xf32, #tpu.memory_space<vmem>>
      %dma_start3A_453 = tpu.memref_slice %arg5[%mul3A_451] : memref<13312xi32, #tpu.memory_space<vmem>> -> memref<128xi32, #tpu.memory_space<vmem>>
      %dma_start3A_454 = arith.constant 0 : i32
      %dma_start3A_455 = tpu.memref_slice %arg3[%dma_start3A_454] : memref<2600000xf32, #tpu.memory_space<hbm>> -> memref<2600000xf32, #tpu.memory_space<hbm>>
      tpu.enqueue_indirect_dma source(%dma_start3A_455 : memref<2600000xf32, #tpu.memory_space<hbm>>) target(%dma_start3A_452 : memref<128xf32, #tpu.memory_space<vmem>>) offsets(%dma_start3A_453 : memref<128xi32, #tpu.memory_space<vmem>>) semaphore(%arg8 : memref<!tpu.dma_semaphore, #tpu.memory_space<semaphore_mem>>)
      %add3A_456 = arith.constant 4 : i32
      %add3A_457 = arith.addi %mul3A_424, %add3A_456 : i32
      %mul3A_458 = arith.constant 128 : i32
      %mul3A_459 = arith.muli %add3A_457, %mul3A_458 : i32
      %dma_start3A_460 = tpu.memref_slice %arg6[%mul3A_459] : memref<13312xf32, #tpu.memory_space<vmem>> -> memref<128xf32, #tpu.memory_space<vmem>>
      %dma_start3A_461 = tpu.memref_slice %arg5[%mul3A_459] : memref<13312xi32, #tpu.memory_space<vmem>> -> memref<128xi32, #tpu.memory_space<vmem>>
      %dma_start3A_462 = arith.constant 0 : i32
      %dma_start3A_463 = tpu.memref_slice %arg3[%dma_start3A_462] : memref<2600000xf32, #tpu.memory_space<hbm>> -> memref<2600000xf32, #tpu.memory_space<hbm>>
      tpu.enqueue_indirect_dma source(%dma_start3A_463 : memref<2600000xf32, #tpu.memory_space<hbm>>) target(%dma_start3A_460 : memref<128xf32, #tpu.memory_space<vmem>>) offsets(%dma_start3A_461 : memref<128xi32, #tpu.memory_space<vmem>>) semaphore(%arg8 : memref<!tpu.dma_semaphore, #tpu.memory_space<semaphore_mem>>)
      %add3A_464 = arith.constant 5 : i32
      %add3A_465 = arith.addi %mul3A_424, %add3A_464 : i32
      %mul3A_466 = arith.constant 128 : i32
      %mul3A_467 = arith.muli %add3A_465, %mul3A_466 : i32
      %dma_start3A_468 = tpu.memref_slice %arg6[%mul3A_467] : memref<13312xf32, #tpu.memory_space<vmem>> -> memref<128xf32, #tpu.memory_space<vmem>>
      %dma_start3A_469 = tpu.memref_slice %arg5[%mul3A_467] : memref<13312xi32, #tpu.memory_space<vmem>> -> memref<128xi32, #tpu.memory_space<vmem>>
      %dma_start3A_470 = arith.constant 0 : i32
      %dma_start3A_471 = tpu.memref_slice %arg3[%dma_start3A_470] : memref<2600000xf32, #tpu.memory_space<hbm>> -> memref<2600000xf32, #tpu.memory_space<hbm>>
      tpu.enqueue_indirect_dma source(%dma_start3A_471 : memref<2600000xf32, #tpu.memory_space<hbm>>) target(%dma_start3A_468 : memref<128xf32, #tpu.memory_space<vmem>>) offsets(%dma_start3A_469 : memref<128xi32, #tpu.memory_space<vmem>>) semaphore(%arg8 : memref<!tpu.dma_semaphore, #tpu.memory_space<semaphore_mem>>)
      %add3A_472 = arith.constant 6 : i32
      %add3A_473 = arith.addi %mul3A_424, %add3A_472 : i32
      %mul3A_474 = arith.constant 128 : i32
      %mul3A_475 = arith.muli %add3A_473, %mul3A_474 : i32
      %dma_start3A_476 = tpu.memref_slice %arg6[%mul3A_475] : memref<13312xf32, #tpu.memory_space<vmem>> -> memref<128xf32, #tpu.memory_space<vmem>>
      %dma_start3A_477 = tpu.memref_slice %arg5[%mul3A_475] : memref<13312xi32, #tpu.memory_space<vmem>> -> memref<128xi32, #tpu.memory_space<vmem>>
      %dma_start3A_478 = arith.constant 0 : i32
      %dma_start3A_479 = tpu.memref_slice %arg3[%dma_start3A_478] : memref<2600000xf32, #tpu.memory_space<hbm>> -> memref<2600000xf32, #tpu.memory_space<hbm>>
      tpu.enqueue_indirect_dma source(%dma_start3A_479 : memref<2600000xf32, #tpu.memory_space<hbm>>) target(%dma_start3A_476 : memref<128xf32, #tpu.memory_space<vmem>>) offsets(%dma_start3A_477 : memref<128xi32, #tpu.memory_space<vmem>>) semaphore(%arg8 : memref<!tpu.dma_semaphore, #tpu.memory_space<semaphore_mem>>)
      %add3A_480 = arith.constant 7 : i32
      %add3A_481 = arith.addi %mul3A_424, %add3A_480 : i32
      %mul3A_482 = arith.constant 128 : i32
      %mul3A_483 = arith.muli %add3A_481, %mul3A_482 : i32
      %dma_start3A_484 = tpu.memref_slice %arg6[%mul3A_483] : memref<13312xf32, #tpu.memory_space<vmem>> -> memref<128xf32, #tpu.memory_space<vmem>>
      %dma_start3A_485 = tpu.memref_slice %arg5[%mul3A_483] : memref<13312xi32, #tpu.memory_space<vmem>> -> memref<128xi32, #tpu.memory_space<vmem>>
      %dma_start3A_486 = arith.constant 0 : i32
      %dma_start3A_487 = tpu.memref_slice %arg3[%dma_start3A_486] : memref<2600000xf32, #tpu.memory_space<hbm>> -> memref<2600000xf32, #tpu.memory_space<hbm>>
      tpu.enqueue_indirect_dma source(%dma_start3A_487 : memref<2600000xf32, #tpu.memory_space<hbm>>) target(%dma_start3A_484 : memref<128xf32, #tpu.memory_space<vmem>>) offsets(%dma_start3A_485 : memref<128xi32, #tpu.memory_space<vmem>>) semaphore(%arg8 : memref<!tpu.dma_semaphore, #tpu.memory_space<semaphore_mem>>)
      %dma_wait3A = tpu.memref_slice %arg6[%mul3A_428] : memref<13312xf32, #tpu.memory_space<vmem>> -> memref<128xf32, #tpu.memory_space<vmem>>
      %dma_wait3A_488 = tpu.memref_slice %arg5[%mul3A_428] : memref<13312xi32, #tpu.memory_space<vmem>> -> memref<128xi32, #tpu.memory_space<vmem>>
      %dma_wait3A_489 = arith.constant 0 : i32
      %dma_wait3A_490 = tpu.memref_slice %arg3[%dma_wait3A_489] : memref<2600000xf32, #tpu.memory_space<hbm>> -> memref<2600000xf32, #tpu.memory_space<hbm>>
      tpu.wait_indirect_dma semaphore(%arg8 : memref<!tpu.dma_semaphore, #tpu.memory_space<semaphore_mem>>) src(%dma_wait3A_490 : memref<2600000xf32, #tpu.memory_space<hbm>>) dst(%dma_wait3A : memref<128xf32, #tpu.memory_space<vmem>>)
      %dma_wait3A_491 = tpu.memref_slice %arg6[%mul3A_435] : memref<13312xf32, #tpu.memory_space<vmem>> -> memref<128xf32, #tpu.memory_space<vmem>>
      %dma_wait3A_492 = tpu.memref_slice %arg5[%mul3A_435] : memref<13312xi32, #tpu.memory_space<vmem>> -> memref<128xi32, #tpu.memory_space<vmem>>
      %dma_wait3A_493 = arith.constant 0 : i32
      %dma_wait3A_494 = tpu.memref_slice %arg3[%dma_wait3A_493] : memref<2600000xf32, #tpu.memory_space<hbm>> -> memref<2600000xf32, #tpu.memory_space<hbm>>
      tpu.wait_indirect_dma semaphore(%arg8 : memref<!tpu.dma_semaphore, #tpu.memory_space<semaphore_mem>>) src(%dma_wait3A_494 : memref<2600000xf32, #tpu.memory_space<hbm>>) dst(%dma_wait3A_491 : memref<128xf32, #tpu.memory_space<vmem>>)
      %dma_wait3A_495 = tpu.memref_slice %arg6[%mul3A_443] : memref<13312xf32, #tpu.memory_space<vmem>> -> memref<128xf32, #tpu.memory_space<vmem>>
      %dma_wait3A_496 = tpu.memref_slice %arg5[%mul3A_443] : memref<13312xi32, #tpu.memory_space<vmem>> -> memref<128xi32, #tpu.memory_space<vmem>>
      %dma_wait3A_497 = arith.constant 0 : i32
      %dma_wait3A_498 = tpu.memref_slice %arg3[%dma_wait3A_497] : memref<2600000xf32, #tpu.memory_space<hbm>> -> memref<2600000xf32, #tpu.memory_space<hbm>>
      tpu.wait_indirect_dma semaphore(%arg8 : memref<!tpu.dma_semaphore, #tpu.memory_space<semaphore_mem>>) src(%dma_wait3A_498 : memref<2600000xf32, #tpu.memory_space<hbm>>) dst(%dma_wait3A_495 : memref<128xf32, #tpu.memory_space<vmem>>)
      %dma_wait3A_499 = tpu.memref_slice %arg6[%mul3A_451] : memref<13312xf32, #tpu.memory_space<vmem>> -> memref<128xf32, #tpu.memory_space<vmem>>
      %dma_wait3A_500 = tpu.memref_slice %arg5[%mul3A_451] : memref<13312xi32, #tpu.memory_space<vmem>> -> memref<128xi32, #tpu.memory_space<vmem>>
      %dma_wait3A_501 = arith.constant 0 : i32
      %dma_wait3A_502 = tpu.memref_slice %arg3[%dma_wait3A_501] : memref<2600000xf32, #tpu.memory_space<hbm>> -> memref<2600000xf32, #tpu.memory_space<hbm>>
      tpu.wait_indirect_dma semaphore(%arg8 : memref<!tpu.dma_semaphore, #tpu.memory_space<semaphore_mem>>) src(%dma_wait3A_502 : memref<2600000xf32, #tpu.memory_space<hbm>>) dst(%dma_wait3A_499 : memref<128xf32, #tpu.memory_space<vmem>>)
      %dma_wait3A_503 = tpu.memref_slice %arg6[%mul3A_459] : memref<13312xf32, #tpu.memory_space<vmem>> -> memref<128xf32, #tpu.memory_space<vmem>>
      %dma_wait3A_504 = tpu.memref_slice %arg5[%mul3A_459] : memref<13312xi32, #tpu.memory_space<vmem>> -> memref<128xi32, #tpu.memory_space<vmem>>
      %dma_wait3A_505 = arith.constant 0 : i32
      %dma_wait3A_506 = tpu.memref_slice %arg3[%dma_wait3A_505] : memref<2600000xf32, #tpu.memory_space<hbm>> -> memref<2600000xf32, #tpu.memory_space<hbm>>
      tpu.wait_indirect_dma semaphore(%arg8 : memref<!tpu.dma_semaphore, #tpu.memory_space<semaphore_mem>>) src(%dma_wait3A_506 : memref<2600000xf32, #tpu.memory_space<hbm>>) dst(%dma_wait3A_503 : memref<128xf32, #tpu.memory_space<vmem>>)
      %dma_wait3A_507 = tpu.memref_slice %arg6[%mul3A_467] : memref<13312xf32, #tpu.memory_space<vmem>> -> memref<128xf32, #tpu.memory_space<vmem>>
      %dma_wait3A_508 = tpu.memref_slice %arg5[%mul3A_467] : memref<13312xi32, #tpu.memory_space<vmem>> -> memref<128xi32, #tpu.memory_space<vmem>>
      %dma_wait3A_509 = arith.constant 0 : i32
      %dma_wait3A_510 = tpu.memref_slice %arg3[%dma_wait3A_509] : memref<2600000xf32, #tpu.memory_space<hbm>> -> memref<2600000xf32, #tpu.memory_space<hbm>>
      tpu.wait_indirect_dma semaphore(%arg8 : memref<!tpu.dma_semaphore, #tpu.memory_space<semaphore_mem>>) src(%dma_wait3A_510 : memref<2600000xf32, #tpu.memory_space<hbm>>) dst(%dma_wait3A_507 : memref<128xf32, #tpu.memory_space<vmem>>)
      %dma_wait3A_511 = tpu.memref_slice %arg6[%mul3A_475] : memref<13312xf32, #tpu.memory_space<vmem>> -> memref<128xf32, #tpu.memory_space<vmem>>
      %dma_wait3A_512 = tpu.memref_slice %arg5[%mul3A_475] : memref<13312xi32, #tpu.memory_space<vmem>> -> memref<128xi32, #tpu.memory_space<vmem>>
      %dma_wait3A_513 = arith.constant 0 : i32
      %dma_wait3A_514 = tpu.memref_slice %arg3[%dma_wait3A_513] : memref<2600000xf32, #tpu.memory_space<hbm>> -> memref<2600000xf32, #tpu.memory_space<hbm>>
      tpu.wait_indirect_dma semaphore(%arg8 : memref<!tpu.dma_semaphore, #tpu.memory_space<semaphore_mem>>) src(%dma_wait3A_514 : memref<2600000xf32, #tpu.memory_space<hbm>>) dst(%dma_wait3A_511 : memref<128xf32, #tpu.memory_space<vmem>>)
      %dma_wait3A_515 = tpu.memref_slice %arg6[%mul3A_483] : memref<13312xf32, #tpu.memory_space<vmem>> -> memref<128xf32, #tpu.memory_space<vmem>>
      %dma_wait3A_516 = tpu.memref_slice %arg5[%mul3A_483] : memref<13312xi32, #tpu.memory_space<vmem>> -> memref<128xi32, #tpu.memory_space<vmem>>
      %dma_wait3A_517 = arith.constant 0 : i32
      %dma_wait3A_518 = tpu.memref_slice %arg3[%dma_wait3A_517] : memref<2600000xf32, #tpu.memory_space<hbm>> -> memref<2600000xf32, #tpu.memory_space<hbm>>
      tpu.wait_indirect_dma semaphore(%arg8 : memref<!tpu.dma_semaphore, #tpu.memory_space<semaphore_mem>>) src(%dma_wait3A_518 : memref<2600000xf32, #tpu.memory_space<hbm>>) dst(%dma_wait3A_515 : memref<128xf32, #tpu.memory_space<vmem>>)
    }
    %scan3A_421 = arith.constant 13 : i32
    "tpu.region"() ({
      %run_scoped3A = tpu.sem_alloc : memref<!tpu.dma_semaphore, #tpu.memory_space<semaphore_mem>>
      %dma_start3A = tpu.memref_slice %arg4[%mul3A_2] : memref<425984xf32, #tpu.memory_space<hbm>> -> memref<13312xf32, #tpu.memory_space<hbm>>
      %dma_start3A_422 = tpu.memref_slice %arg4[%mul3A_2] : memref<425984xf32, #tpu.memory_space<hbm>> -> memref<13312xf32, #tpu.memory_space<hbm>>
      tpu.enqueue_dma source(%arg6 : memref<13312xf32, #tpu.memory_space<vmem>>) target(%dma_start3A_422 : memref<13312xf32, #tpu.memory_space<hbm>>) target_semaphore(%run_scoped3A : memref<!tpu.dma_semaphore, #tpu.memory_space<semaphore_mem>>)
      %dma_wait3A = tpu.memref_slice %arg4[%mul3A_2] : memref<425984xf32, #tpu.memory_space<hbm>> -> memref<13312xf32, #tpu.memory_space<hbm>>
      %dma_wait3A_423 = tpu.memref_slice %arg4[%mul3A_2] : memref<425984xf32, #tpu.memory_space<hbm>> -> memref<13312xf32, #tpu.memory_space<hbm>>
      tpu.wait_dma2 semaphore(%run_scoped3A : memref<!tpu.dma_semaphore, #tpu.memory_space<semaphore_mem>>) src(%arg6 : memref<13312xf32, #tpu.memory_space<vmem>>) dst(%dma_wait3A_423 : memref<13312xf32, #tpu.memory_space<hbm>>)
      tpu.yield
    }) : () -> ()
    return
  }
}

</mosaic_0001>

<sc_bundles>
// kernel: kernel.3.cloned.1.call-start
scs
__scs_entry_jumppad:
0x0: {  	(pc) =	sbr.rel $0x88, $3  }
0x1: {  	(tag) =	ssettag $0x0;
	lr =	simm.s32 $0x1  }
0x2: {  	[smem:$0x3F9F] =	sst lr;
	_ =	strace $0xD0000000  }
0x3: {  	_ = 	snop  }
0x4: {  	_ = 	snop  }
0x5: {  	_ = 	snop  }
0x6: {  	_ = 	snop  }
0x7: {  	_ = 	snop  }
__scs_overlays_trampoline_lowered:
0x8: {  	[smem:$0x3FAE] =	sst s0  }
0x9: {  	[smem:$0x3FAF] =	sst s1  }
0xa: {  	[smem:$0x3FB0] =	sst s2  }
0xb: {  	[smem:$0x3FB1] =	sst s3  }
0xc: {  	[smem:$0x3FB2] =	sst s4  }
0xd: {  	[smem:$0x3FB3] =	sst s5  }
0xe: {  	[smem:$0x3FB4] =	sst s6  }
0xf: {  	[smem:$0x3FB5] =	sst s7  }
0x10: {  	[smem:$0x3FB6] =	sst s8  }
0x11: {  	[smem:$0x3FB7] =	sst s9;
	s0 =	simm.s32 @!p0 $0x0  }
0x12: {  	s1 =	sld [smem:$0x3F9D];
	s0 =	simm.s32 @p0 $0x1  }
0x13: {  	[smem:$0x3FB8] =	sst s0;
	s0 =	simm.s32 @!p1 $0x0  }
0x14: {  	s2 =	sld [smem:$0x3F9C];
	s0 =	simm.s32 @p1 $0x1  }
0x15: {  	[smem:$0x3FB9] =	sst s0;
	s0 =	simm.s32 @!p2 $0x0  }
0x16: {  	s3 =	sld [smem:$0x3FDB];
	s0 =	simm.s32 @p2 $0x1  }
0x17: {  	s4 =	simm.s32 $0x1BF5;
	[smem:$0x3FBB] =	sst s0  }
0x18: {  	s0 =	sld [smem:$0x3F9E];
	_ =	swait.ge [sflag:s4], $0x0  }
0x19: {  	s7 =	sld [smem:$0x3F9F]  }
0x1a: {  	s8 =	sadd.s32 $0xFFFFE003, lr  }
0x1b: {  	s9 =	sadd.s32 $0xFFFFFEF7, lr;
	s5 =	simm.s32 $0xFFFFFFFF;
	p2 =	slt.u32 s8, $0xFFFFF086  }
0x1c: {  	p1 =	slt.u32 s9, $0xF7A;
	s5 =	simm.s32 @!p2 $0x0  }
0x1d: {  	s5 =	simm.s32 @p1 $0x1;
	p0 =	seq.s32 s7, s2  }
0x1e: {  	s7 =	smul.u32 @!p0 $0xF7A, s2;
	p2 =	seq.s32 @!p0 s5, $0x0  }
0x1f: {  	s9 =	smul.u32 $0xF7A, s1;
	s8 =	simm.s32 @!p0 $0x1BF5;
	p2 =	por !p2, p0  }
0x20: {  	[sflag:s8] =	ssyncset.s32 @!p0 $0xFFFFF086;
	s6 =	sadd.s32 @!p0 s3, s7;
	s7 =	simm.s32 @!p0 $0x108  }
0x21: {  	s3 =	sadd.s32 s3, s9;
	s6 =	sadd.s32 @!p0 $0x88, s6;
	s7 =	simm.s32 @p2 $0x1082  }
0x22: {  	[simem:s7], [sflag:s8] =	dma.local @!p0 [hbm:s6], $0xF7A  }
0x23: {  	s9 =	sor.u32 $0xD0000000, s2;
	s6 =	simm.s32 $0x108;
	_ =	swait.ge @!p0 [sflag:s8], $0x0  }
0x24: {  	s3 =	sadd.s32 $0x88, s3;
	s6 =	simm.s32 @!p1 $0x1082;
	[sflag:s4] =	ssyncset.s32 $0xFFFFF086  }
0x25: {  	[simem:s6], [sflag:s4] =	dma.local [hbm:s3], $0xF7A  }
0x26: {  	[smem:$0x3F9F] =	sst s1;
	(tag) =	ssettag s2;
	_ =	strace s9  }
0x27: {  	s1 =	sld [smem:$0x3FAF]  }
0x28: {  	s2 =	sld [smem:$0x3FB0]  }
0x29: {  	s4 =	sld [smem:$0x3FB2]  }
0x2a: {  	p0 =	seq.s32 s5, $0x0;
	s5 =	sld [smem:$0x3FB3]  }
0x2b: {  	s6 =	sld [smem:$0x3FB4]  }
0x2c: {  	s7 =	sld [smem:$0x3FB5]  }
0x2d: {  	s3 =	simm.s32 $0x108;
	s8 =	sld [smem:$0x3FB6]  }
0x2e: {  	s3 =	simm.s32 @!p0 $0x1082;
	s9 =	sld [smem:$0x3FB7]  }
0x2f: {  	lr =	sadd.s32 s0, s3;
	s0 =	sld [smem:$0x3FAE]  }
0x30: {  	s3 =	sld [smem:$0x3FB1]  }
0x31: {  	[smem:$0x3FBA] =	sst s10  }
0x32: {  	s10 =	sld [smem:$0x3FB8];
	_ =	sdelay $0x3  }
0x33: {  	p0 =	seq.s32 s10, $0x1;
	s10 =	sld [smem:$0x3FBA];
	_ =	sdelay $0x3  }
0x34: {  	[smem:$0x3FBA] =	sst s10  }
0x35: {  	s10 =	sld [smem:$0x3FB9];
	_ =	sdelay $0x3  }
0x36: {  	p1 =	seq.s32 s10, $0x1;
	s10 =	sld [smem:$0x3FBA];
	_ =	sdelay $0x3  }
0x37: {  	[smem:$0x3FBA] =	sst s10  }
0x38: {  	s10 =	sld [smem:$0x3FBB]  }
0x39: {  	_ = 	snop;
	(pc) =	sbr.ind lr, $3  }
0x3a: {  	_ = 	snop  }
0x3b: {  	_ = 	snop  }
0x3c: {  	p2 =	seq.s32 s10, $0x1;
	s10 =	sld [smem:$0x3FBA]  }
0x3d: {  	_ =	shalt  }
0x3e: {  	_ =	shalt  }
0x3f: {  	_ =	shalt  }
0x40: {  	_ =	shalt  }
0x41: {  	_ =	shalt  }
0x42: {  	_ =	shalt  }
0x43: {  	_ =	shalt  }
0x44: {  	_ =	shalt  }
0x45: {  	_ =	shalt  }
0x46: {  	_ =	shalt  }
0x47: {  	_ =	shalt  }
0x48: {  	_ =	shalt  }
0x49: {  	_ =	shalt  }
0x4a: {  	_ =	shalt  }
0x4b: {  	_ =	shalt  }
0x4c: {  	_ =	shalt  }
0x4d: {  	_ =	shalt  }
0x4e: {  	_ =	shalt  }
0x4f: {  	_ =	shalt  }
0x50: {  	_ =	shalt  }
0x51: {  	_ =	shalt  }
0x52: {  	_ =	shalt  }
0x53: {  	_ =	shalt  }
0x54: {  	_ =	shalt  }
0x55: {  	_ =	shalt  }
0x56: {  	_ =	shalt  }
0x57: {  	_ =	shalt  }
0x58: {  	_ =	shalt  }
0x59: {  	_ =	shalt  }
0x5a: {  	_ =	shalt  }
0x5b: {  	_ =	shalt  }
0x5c: {  	_ =	shalt  }
0x5d: {  	_ =	shalt  }
0x5e: {  	_ =	shalt  }
0x5f: {  	_ =	shalt  }
0x60: {  	_ =	shalt  }
0x61: {  	_ =	shalt  }
0x62: {  	_ =	shalt  }
0x63: {  	_ =	shalt  }
0x64: {  	_ =	shalt  }
0x65: {  	_ =	shalt  }
0x66: {  	_ =	shalt  }
0x67: {  	_ =	shalt  }
0x68: {  	_ =	shalt  }
0x69: {  	_ =	shalt  }
0x6a: {  	_ =	shalt  }
0x6b: {  	_ =	shalt  }
0x6c: {  	_ =	shalt  }
0x6d: {  	_ =	shalt  }
0x6e: {  	_ =	shalt  }
0x6f: {  	_ =	shalt  }
0x70: {  	_ =	shalt  }
0x71: {  	_ =	shalt  }
0x72: {  	_ =	shalt  }
0x73: {  	_ =	shalt  }
0x74: {  	_ =	shalt  }
0x75: {  	_ =	shalt  }
0x76: {  	_ =	shalt  }
0x77: {  	_ =	shalt  }
0x78: {  	_ =	shalt  }
0x79: {  	_ =	shalt  }
0x7a: {  	_ =	shalt  }
0x7b: {  	_ =	shalt  }
0x7c: {  	_ =	shalt  }
0x7d: {  	_ =	shalt  }
0x7e: {  	_ =	shalt  }
0x7f: {  	_ =	shalt  }
0x80: {  	_ =	shalt  }
0x81: {  	_ =	shalt  }
0x82: {  	_ =	shalt  }
0x83: {  	_ =	shalt  }
0x84: {  	_ =	shalt  }
0x85: {  	_ =	shalt  }
0x86: {  	_ =	shalt  }
0x87: {  	_ =	shalt  }
.Lfunc_end0:
.L_simem_size_0:
called_computation_lowered:
.L_overlay_start_0:
0x88: {  	s2 =	sld [smem:$0x3FD9]  }
0x89: {  	s3 =	sld [smem:$0x3FFE];
	_ =	sdelay $0x1  }
0x8a: {  	s1 =	srdreg.scid  }
0x8b: {  	s0 =	sand.u32 $0x1, s1  }
0x8c: {  	s17 =	sshll.u32 s0, $0xA;
	s2 =	sadd.s32 s3, s2  }
0x8d: {  	s2 =	sadd.s32 s2, s17  }
0x8e: {  	[smem:$0x3FC6] =	sst s2  }
0x8f: {  	_ = 	snop  }
0x90: {  	s2 =	sld [smem:$0x3FD0];
	(tm) =	ssettm $0x1  }
0x91: {  	s18 =	sld [smem:$0x3FFB];
	_ =	sdelay $0x3  }
0x92: {  	_ =	strace s18  }
0x93: {  	s3 =	sld [smem:$0x3FFC];
	_ =	sdelay $0x3  }
0x94: {  	_ =	strace s3  }
0x95: {  	s3 =	sld [smem:$0x3FFD];
	_ =	sdelay $0x3  }
0x96: {  	_ =	strace s3  }
0x97: {  	_ =	strace $0x8FFFFFFF  }
0x98: {  	s19 =	sld [smem:$0x3FDB];
	_ =	sdelay $0x1  }
0x99: {  	s4 =	simm.s32 $_scs_section_size  }
0x9a: {  	s5 =	simm.s32 $_size__tile_overlayer_lowered;
	s6 =	simm.s32 $_tile_overlayer_lowered  }
0x9b: {  	s22 =	simm.s32 $0x1BFF;
	s21 =	sshll.u32 s6, $0x1;
	s3 =	sadd.s32 s4, s19  }
0x9c: {  	s7 =	simm.s32 $0x0;
	s20 =	sshll.u32 s5, $0x1;
	s5 =	sadd.s32 s21, s3  }
0x9d: {  	[timem:s7], [sflag:s22] =	dma.local [hbm:s5], s20  }
0x9e: {  	_ =	swait.ge [sflag:s22], s20  }
0x9f: {  	s4 =	ssub.s32 $0x0, s20;
	[sflag:s22] =	ssyncset.done $0x0  }
0xa0: {  	[sflag:s22] =	ssyncadd.s32 s4;
	_ =	sdelay $0x1  }
0xa1: {  	s23 =	simm.s32 $0x1B8B  }
0xa2: {  	_ =	swait.ge [sflag:s23], $0x1  }
0xa3: {  	[sflag:s23] =	ssyncset.done $0x0  }
0xa4: {  	s25 =	simm.s32 $0x1B8E;
	s24 =	sld [smem:$0x3FFE];
	[sflag:s23] =	ssyncadd.s32 $0xFFFFFFFF  }
0xa5: {  	s26 =	simm.s32 $execute0_lowered;
	[smem:$0x3FD2] =	sst s25  }
0xa6: {  	s5 =	sshll.u32 s26, $0x1;
	_ =	strace $0x80000046;
	[dreg:$0x1] =	wrdreg $0xFFFFFFFF  }
0xa7: {  	s28 =	simm.s32 $_size_execute0_lowered;
	s3 =	sadd.s32 s3, s5;
	[dreg:$0x0] =	wrdreg $0x0  }
0xa8: {  	s5 =	sshll.u32 s28, $0x1;
	[dreg:$0x2] =	wrdreg s3  }
0xa9: {  	[dreg:$0x3] =	wrdreg s5  }
0xaa: {  	[dreg:$0x4] =	wrdreg $0xC0  }
0xab: {  	_ =	task [dreg:s7], $0x5FFFF  }
0xac: {  	[dreg:$0x1] =	wrdreg $0xFFFFFFFF  }
0xad: {  	[dreg:$0x0] =	wrdreg $0x60  }
0xae: {  	[dreg:$0x2] =	wrdreg s2  }
0xaf: {  	[dreg:$0x3] =	wrdreg s24  }
0xb0: {  	[dreg:$0x4] =	wrdreg $0x9  }
0xb1: {  	_ =	task.clear_ibuf [dreg:s7], $0x5FFFF;
	_ =	strace $0x90000046  }
0xb2: {  	s29 =	simm.s32 $0x9;
	_ =	strace $0x80000048  }
0xb3: {  	_ =	swait.ge [sflag:s29], $0x1  }
0xb4: {  	[sflag:s29] =	ssyncadd.s32 $0xFFFFFFFF  }
0xb5: {  	_ =	strace $0x90000048  }
0xb6: {  	_ =	sfence  }
0xb7: {  	s30 =	sld [smem:$0x0];
	_ =	sdelay $0x2  }
0xb8: {  	s31 =	sshll.u32 s1, $0xD;
	s1 =	sshrl.u32 s1, $0x2  }
0xb9: {  	s3 =	sand.u32 $0x4000, s31;
	s1 =	sadd.s32 s1, s30  }
0xba: {  	s0 =	sor.u32 s3, s0;
	s1 =	sshll.u32 s1, $0x11  }
0xbb: {  	s0 =	sor.u32 s1, s0  }
0xbc: {  	s0 =	sadd.s32 $0x8F2B, s0  }
0xbd: {  	[sflag:s0] =	ssyncadd.remote.s32 $0x1  }
0xbe: {  	_ =	sfence.sel $0xFFFF  }
0xbf: {  	[dreg:$0x0] =	wrdreg $0xFFFFFFFF;
	(pc) =	sbr.abs _section_cstart, $3  }
0xc0: {  	[dreg:$0x1] =	wrdreg $0xFFFFFFFF  }
0xc1: {  	_ =	task.clear_ibuf [dreg:s7], $0x2FFFF;
	_ =	strace $0x9FFFFFFF  }
0xc2: {  	(tm) =	ssettm $0x7FFFFFFF  }
0xc3: {  	_ =	shalt  }
tec
execute0_lowered:
.L_overlay_start_1:
0x0: {  	(tag) =	ssettag $0x1  }
0x1: {  	vm13 =	vcmask $0x300;
	v0 =	vimm.s32 $0x7A120  }
0x2: {  	vm14 =	vcmask $0x704;
	vm12 =	vcmask $0xB08;
	vm11 =	vcmask $0xF0C  }
0x3: {  	vm10 =	vcmask $0x1310;
	vm9 =	vcmask $0x1714;
	vm8 =	vcmask $0x1B18  }
0x4: {  	vm7 =	vcmask $0x1F1C;
	vm6 =	vcmask $0x2320;
	vm5 =	vcmask $0x2724  }
0x5: {  	vm4 =	vcmask $0x2B28;
	vm3 =	vcmask $0x2F2C;
	v1 =	vlaneseq.u32  }
0x6: {  	vm2 =	vcmask $0x3330;
	vm1 =	vcmask $0x3734;
	vm0 =	vcmask $0x3B38  }
0x7: {  	v3 =	vimm.s32 $0x10C8E0;
	v4 =	vimm.s32 $0x186A0;
	v5 =	vimm.s32 $0xAAE60  }
0x8: {  	v8 =	vimm.s32 $0x13D620;
	v9 =	vimm.s32 $0x493E0;
	v10 =	vimm.s32 $0xDBBA0  }
0x9: {  	v0 =	vsel vm13, $0x186A00, v0;
	v3 =	vsel vm13, $0x2191C0, v3;
	v4 =	vsel vm13, $0x124F80, v4  }
0xa: {  	v5 =	vsel vm13, $0x1B7740, v5;
	v8 =	vsel vm13, $0x249F00, v8;
	v9 =	vsel vm13, $0x155CC0, v9  }
0xb: {  	v10 =	vsel vm13, $0x1E8480, v10;
	v0 =	vsel vm14, $0x19F0A0, v0;
	v3 =	vsel vm14, $0x231860, v3  }
0xc: {  	v4 =	vsel vm14, $0x13D620, v4;
	v5 =	vsel vm14, $0x1CFDE0, v5;
	v8 =	vsel vm14, $0x2625A0, v8  }
0xd: {  	v9 =	vsel vm14, $0x16E360, v9;
	v10 =	vsel vm14, $0x200B20, v10;
	v0 =	vsel vm12, $0x1B7740, v0  }
0xe: {  	v3 =	vsel vm12, $0x249F00, v3;
	v4 =	vsel vm12, $0x155CC0, v4;
	v5 =	vsel vm12, $0x1E8480, v5  }
0xf: {  	v8 =	vsel vm12, $0x0, v8;
	v9 =	vsel vm12, $0x186A00, v9;
	v10 =	vsel vm12, $0x2191C0, v10  }
0x10: {  	v0 =	vsel vm11, $0x1CFDE0, v0;
	v3 =	vsel vm11, $0x2625A0, v3;
	v4 =	vsel vm11, $0x16E360, v4  }
0x11: {  	v5 =	vsel vm11, $0x200B20, v5;
	v8 =	vsel vm11, $0x186A0, v8;
	v9 =	vsel vm11, $0x19F0A0, v9  }
0x12: {  	v10 =	vsel vm11, $0x231860, v10;
	v0 =	vsel vm10, $0x1E8480, v0;
	v3 =	vsel vm10, $0x0, v3  }
0x13: {  	v4 =	vsel vm10, $0x186A00, v4;
	v5 =	vsel vm10, $0x2191C0, v5;
	v8 =	vsel vm10, $0x30D40, v8  }
0x14: {  	v9 =	vsel vm10, $0x1B7740, v9;
	v10 =	vsel vm10, $0x249F00, v10;
	v0 =	vsel vm9, $0x200B20, v0  }
0x15: {  	v3 =	vsel vm9, $0x186A0, v3;
	v4 =	vsel vm9, $0x19F0A0, v4;
	v5 =	vsel vm9, $0x231860, v5  }
0x16: {  	v8 =	vsel vm9, $0x493E0, v8;
	v9 =	vsel vm9, $0x1CFDE0, v9;
	v10 =	vsel vm9, $0x2625A0, v10  }
0x17: {  	v0 =	vsel vm8, $0x2191C0, v0;
	v3 =	vsel vm8, $0x30D40, v3;
	v4 =	vsel vm8, $0x1B7740, v4  }
0x18: {  	v5 =	vsel vm8, $0x249F00, v5;
	v8 =	vsel vm8, $0x61A80, v8;
	v9 =	vsel vm8, $0x1E8480, v9  }
0x19: {  	v10 =	vsel vm8, $0x0, v10;
	v0 =	vsel vm7, $0x231860, v0;
	v3 =	vsel vm7, $0x493E0, v3  }
0x1a: {  	v4 =	vsel vm7, $0x1CFDE0, v4;
	v5 =	vsel vm7, $0x2625A0, v5;
	v8 =	vsel vm7, $0x7A120, v8  }
0x1b: {  	v9 =	vsel vm7, $0x200B20, v9;
	v10 =	vsel vm7, $0x186A0, v10;
	v0 =	vsel vm6, $0x249F00, v0  }
0x1c: {  	v3 =	vsel vm6, $0x61A80, v3;
	v4 =	vsel vm6, $0x1E8480, v4;
	v5 =	vsel vm6, $0x0, v5  }
0x1d: {  	v8 =	vsel vm6, $0x927C0, v8;
	v9 =	vsel vm6, $0x2191C0, v9;
	v10 =	vsel vm6, $0x30D40, v10  }
0x1e: {  	v0 =	vsel vm5, $0x2625A0, v0;
	v3 =	vsel vm5, $0x7A120, v3;
	v4 =	vsel vm5, $0x200B20, v4  }
0x1f: {  	v5 =	vsel vm5, $0x186A0, v5;
	v8 =	vsel vm5, $0xAAE60, v8;
	v9 =	vsel vm5, $0x231860, v9  }
0x20: {  	v10 =	vsel vm5, $0x493E0, v10;
	v0 =	vsel vm4, $0x0, v0;
	v3 =	vsel vm4, $0x927C0, v3  }
0x21: {  	v4 =	vsel vm4, $0x2191C0, v4;
	v5 =	vsel vm4, $0x30D40, v5;
	v8 =	vsel vm4, $0xC3500, v8  }
0x22: {  	v9 =	vsel vm4, $0x249F00, v9;
	v10 =	vsel vm4, $0x61A80, v10;
	v2 =	vsel vm3, $0x186A0, v0  }
0x23: {  	v0 =	vmul.u32 $0x186A0, v1;
	v3 =	vsel vm3, $0xAAE60, v3;
	v4 =	vsel vm3, $0x231860, v4  }
0x24: {  	v5 =	vsel vm3, $0x493E0, v5;
	v8 =	vsel vm3, $0xDBBA0, v8;
	v9 =	vsel vm3, $0x2625A0, v9  }
0x25: {  	s4 =	rddreg [dreg:$0x0];
	s1 =	srdreg.scid;
	v10 =	vsel vm3, $0x7A120, v10;
	v1 =	vsel vm2, $0x30D40, v2;
	v3 =	vsel vm2, $0xC3500, v3  }
0x26: {  	s0 =	stileid.u32;
	s5 =	rddreg [dreg:$0x1];
	v4 =	vsel vm2, $0x249F00, v4;
	v5 =	vsel vm2, $0x61A80, v5;
	v8 =	vsel vm2, $0xF4240, v8  }
0x27: {  	s2 =	simm.s32 $0x0;
	s9 =	simm.s32 $0x1;
	s10 =	simm.s32 $0x3400;
	v9 =	vsel vm2, $0x0, v9;
	v10 =	vsel vm2, $0x927C0, v10;
	v1 =	vsel vm1, $0x493E0, v1  }
0x28: {  	s11 =	simm.s32 $0x0;
	s3 =	sand.u32 $0x1, s1;
	s6 =	sshll.u32 s0, $0x1;
	v2 =	vadd.s32 $0x927C0, v0;
	v3 =	vsel vm1, $0xDBBA0, v3;
	v4 =	vsel vm1, $0x2625A0, v4  }
0x29: {  	s1 =	rddreg [dreg:$0x2];
	s6 =	sor.u32 s3, s6;
	s7 =	ssub.s32 $0x2, s3;
	v6 =	vsel vm1, $0x7A120, v5;
	v5 =	vadd.s32 $0x30D40, v0;
	v7 =	vadd.s32 $0xC3500, v0  }
0x2a: {  	[smem:$0x7FF] =	sst s2;
	s6 =	smul.u32 $0x680, s6;
	s8 =	sshrl.u32 s7, $0x1;
	v8 =	vsel vm1, $0x10C8E0, v8;
	v9 =	vsel vm1, $0x186A0, v9;
	v11 =	vsel vm1, $0xAAE60, v10  }
0x2b: {  	_ =	strace $0x80000047;
	s3 =	sadd.s32 $0x200, s5;
	s7 =	ssub.s32 s7, s8;
	v10 =	vadd.s32 $0x61A80, v0;
	v12 =	vadd.s32 $0xF4240, v0;
	v1 =	vsel vm0, $0x61A80, v1  }
0x2c: {  	s8 =	simm.s32 $0x80;
	s5 =	sadd.s32 s6, s5;
	s4 =	sadd.s32 s4, s6;
	v3 =	vsel vm0, $0xF4240, v3;
	v4 =	vsel vm0, $0x0, v4;
	v6 =	vsel vm0, $0x927C0, v6  }
0x2d: {  	s6 =	smax.u32 s7, $0x1;
	s7 =	simm.s32 $0x2;
	s5 =	sadd.s32 $0x4F800, s5;
	v8 =	vsel vm0, $0x124F80, v8;
	v9 =	vsel vm0, $0x30D40, v9;
	v11 =	vsel vm0, $0xC3500, v11  }
.LBB2_1:
0x2e: {  	[tilespmem:s2], [sflag:$0x2] =	stream.linear.gather [hbm4b:s4+s2], $0x3400, $0x38;
	[tilespmem:$0x6900] =	vst v63  }
0x2f: {  	_ =	swait.ge [sflag:s7], $0x3400  }
0x30: {  	[sflag:s7] =	ssyncset.done $0x0  }
0x31: {  	[sflag:s7] =	ssyncadd.s32 $0xFFFFCC00  }
0x32: {  	[tilespmem:$0x6800] =	vst v0  }
0x33: {  	[tilespmem:$0x6810] =	vst v1  }
0x34: {  	[tilespmem:$0x6820] =	vst v2  }
0x35: {  	[tilespmem:$0x6830] =	vst v3  }
0x36: {  	[tilespmem:$0x6840] =	vst v4  }
0x37: {  	[tilespmem:$0x6850] =	vst v5  }
0x38: {  	[tilespmem:$0x6860] =	vst v6  }
0x39: {  	[tilespmem:$0x6870] =	vst v7  }
0x3a: {  	[tilespmem:$0x6880] =	vst v8  }
0x3b: {  	[tilespmem:$0x6890] =	vst v9  }
0x3c: {  	[tilespmem:$0x68A0] =	vst v10  }
0x3d: {  	[tilespmem:$0x68B0] =	vst v11  }
0x3e: {  	s12 =	simm.s32 $0x60;
	[tilespmem:$0x68C0] =	vst v12  }
0x3f: {  	v13 =	vld [tilespmem:s12+$0xFFFFFFA0]  }
0x40: {  	v14 =	vld [tilespmem:$0x6800];
	_ =	sdelay $0x4  }
0x41: {  	v13 =	vadd.s32 v13, v14  }
0x42: {  	[tilespmem:s12+$0xFFFFFFA0] =	vst v13;
	v13 =	vld [tilespmem:s12+$0xFFFFFFB0]  }
0x43: {  	v14 =	vld [tilespmem:$0x6810];
	_ =	sdelay $0x4  }
0x44: {  	v13 =	vadd.s32 v13, v14  }
0x45: {  	[tilespmem:s12+$0xFFFFFFB0] =	vst v13;
	v13 =	vld [tilespmem:s12+$0xFFFFFFC0]  }
0x46: {  	v14 =	vld [tilespmem:$0x6820];
	_ =	sdelay $0x4  }
0x47: {  	v13 =	vadd.s32 v13, v14  }
0x48: {  	[tilespmem:s12+$0xFFFFFFC0] =	vst v13;
	v13 =	vld [tilespmem:s12+$0xFFFFFFD0]  }
0x49: {  	v14 =	vld [tilespmem:$0x6830];
	_ =	sdelay $0x4  }
0x4a: {  	v13 =	vadd.s32 v13, v14  }
0x4b: {  	[tilespmem:s12+$0xFFFFFFD0] =	vst v13;
	v13 =	vld [tilespmem:s12+$0xFFFFFFE0]  }
0x4c: {  	v14 =	vld [tilespmem:$0x6840];
	_ =	sdelay $0x4  }
0x4d: {  	v13 =	vadd.s32 v13, v14  }
0x4e: {  	[tilespmem:s12+$0xFFFFFFE0] =	vst v13;
	v13 =	vld [tilespmem:s12+$0xFFFFFFF0]  }
0x4f: {  	v14 =	vld [tilespmem:$0x6850];
	_ =	sdelay $0x4  }
0x50: {  	v13 =	vadd.s32 v13, v14  }
0x51: {  	[tilespmem:s12+$0xFFFFFFF0] =	vst v13;
	v13 =	vld [tilespmem:s12+$0x0]  }
0x52: {  	v14 =	vld [tilespmem:$0x6860];
	_ =	sdelay $0x4  }
0x53: {  	v13 =	vadd.s32 v13, v14  }
0x54: {  	[tilespmem:s12+$0x0] =	vst v13;
	v13 =	vld [tilespmem:s12+$0x10]  }
0x55: {  	v14 =	vld [tilespmem:$0x6870];
	_ =	sdelay $0x4  }
0x56: {  	v13 =	vadd.s32 v13, v14  }
0x57: {  	s13 =	sand.u32 $0x3FF0, s2;
	[tilespmem:s12+$0x10] =	vst v13  }
0x58: {  	v13 =	vld [tilespmem:s13+$0x80]  }
0x59: {  	v14 =	vld [tilespmem:$0x6880];
	_ =	sdelay $0x4  }
0x5a: {  	v13 =	vadd.s32 v13, v14  }
0x5b: {  	[tilespmem:s13+$0x80] =	vst v13  }
0x5c: {  	v13 =	vld [tilespmem:s12+$0x30]  }
0x5d: {  	v14 =	vld [tilespmem:$0x6890];
	_ =	sdelay $0x4  }
0x5e: {  	v13 =	vadd.s32 v13, v14  }
0x5f: {  	v14 =	vld [tilespmem:s12+$0x40];
	[tilespmem:s12+$0x30] =	vst v13  }
0x60: {  	v13 =	vld [tilespmem:$0x68A0];
	_ =	sdelay $0x4  }
0x61: {  	v13 =	vadd.s32 v14, v13  }
0x62: {  	v14 =	vld [tilespmem:s12+$0x50];
	[tilespmem:s12+$0x40] =	vst v13  }
0x63: {  	v13 =	vld [tilespmem:$0x68B0];
	_ =	sdelay $0x4  }
0x64: {  	v14 =	vadd.s32 v14, v13  }
0x65: {  	v13 =	vld [tilespmem:s12+$0x60];
	[tilespmem:s12+$0x50] =	vst v14  }
0x66: {  	s14 =	simm.s32 $0x60;
	s13 =	simm.s32 $0xD0;
	v14 =	vld [tilespmem:$0x68C0]  }
.LBB2_2:
0x67: {  	_ =	sdelay $0x1  }
0x68: {  	p0 =	sne.s32 s13, $0x3330  }
0x69: {  	s12 =	sadd.s32 $0xD0, s12;
	s15 =	smov.u32 s13;
	s13 =	sadd.s32 $0xD0, s13  }
0x6a: {  	v13 =	vadd.s32 v13, v14  }
0x6b: {  	v14 =	vld [tilespmem:s12+$0xFFFFFFA0];
	[tilespmem:s14+$0x60] =	vst v13;
	s14 =	smov.u32 s12  }
0x6c: {  	v13 =	vld [tilespmem:$0x6800];
	_ =	sdelay $0x4  }
0x6d: {  	v13 =	vadd.s32 v14, v13  }
0x6e: {  	[tilespmem:s12+$0xFFFFFFA0] =	vst v13;
	v13 =	vld [tilespmem:s12+$0xFFFFFFB0]  }
0x6f: {  	v14 =	vld [tilespmem:$0x6810];
	_ =	sdelay $0x4  }
0x70: {  	v13 =	vadd.s32 v13, v14  }
0x71: {  	[tilespmem:s12+$0xFFFFFFB0] =	vst v13;
	v13 =	vld [tilespmem:s12+$0xFFFFFFC0]  }
0x72: {  	v14 =	vld [tilespmem:$0x6820];
	_ =	sdelay $0x4  }
0x73: {  	v13 =	vadd.s32 v13, v14  }
0x74: {  	[tilespmem:s12+$0xFFFFFFC0] =	vst v13;
	v13 =	vld [tilespmem:s12+$0xFFFFFFD0]  }
0x75: {  	v14 =	vld [tilespmem:$0x6830];
	_ =	sdelay $0x4  }
0x76: {  	v13 =	vadd.s32 v13, v14  }
0x77: {  	[tilespmem:s12+$0xFFFFFFD0] =	vst v13;
	v13 =	vld [tilespmem:s12+$0xFFFFFFE0]  }
0x78: {  	v14 =	vld [tilespmem:$0x6840];
	_ =	sdelay $0x4  }
0x79: {  	v13 =	vadd.s32 v13, v14  }
0x7a: {  	[tilespmem:s12+$0xFFFFFFE0] =	vst v13;
	v13 =	vld [tilespmem:s12+$0xFFFFFFF0]  }
0x7b: {  	v14 =	vld [tilespmem:$0x6850];
	_ =	sdelay $0x4  }
0x7c: {  	v13 =	vadd.s32 v13, v14  }
0x7d: {  	[tilespmem:s12+$0xFFFFFFF0] =	vst v13;
	v13 =	vld [tilespmem:s12+$0x0]  }
0x7e: {  	v14 =	vld [tilespmem:$0x6860];
	_ =	sdelay $0x4  }
0x7f: {  	v13 =	vadd.s32 v13, v14  }
0x80: {  	[tilespmem:s12+$0x0] =	vst v13;
	v13 =	vld [tilespmem:s12+$0x10]  }
0x81: {  	v14 =	vld [tilespmem:$0x6870];
	_ =	sdelay $0x4  }
0x82: {  	v13 =	vadd.s32 v13, v14  }
0x83: {  	s15 =	sand.u32 $0x3FF0, s15;
	[tilespmem:s12+$0x10] =	vst v13  }
0x84: {  	v13 =	vld [tilespmem:s15+$0x80]  }
0x85: {  	v14 =	vld [tilespmem:$0x6880];
	_ =	sdelay $0x4  }
0x86: {  	v13 =	vadd.s32 v13, v14  }
0x87: {  	[tilespmem:s15+$0x80] =	vst v13  }
0x88: {  	v13 =	vld [tilespmem:s12+$0x30]  }
0x89: {  	v14 =	vld [tilespmem:$0x6890];
	_ =	sdelay $0x4  }
0x8a: {  	v13 =	vadd.s32 v13, v14;
	v14 =	vld [tilespmem:s12+$0x40]  }
0x8b: {  	[tilespmem:s12+$0x30] =	vst v13  }
0x8c: {  	v13 =	vld [tilespmem:$0x68A0];
	_ =	sdelay $0x4  }
0x8d: {  	v13 =	vadd.s32 v14, v13;
	v14 =	vld [tilespmem:s12+$0x50]  }
0x8e: {  	[tilespmem:s12+$0x40] =	vst v13  }
0x8f: {  	v13 =	vld [tilespmem:$0x68B0];
	_ =	sdelay $0x2  }
.Ltmp0:
0x90: {  	(pc) =	sbr.rel @p0 .LBB2_2-.Ltmp0, $4  }
0x91: {  	_ = 	snop  }
0x92: {  	v14 =	vadd.s32 v14, v13;
	v13 =	vld [tilespmem:s12+$0x60]  }
0x93: {  	[tilespmem:s12+$0x50] =	vst v14  }
0x94: {  	v14 =	vld [tilespmem:$0x68C0]  }
0x95: {  	_ =	sdelay $0x3  }
0x96: {  	v13 =	vadd.s32 v13, v14  }
0x97: {  	s12 =	simm.s32 $0x0;
	s13 =	simm.s32 $0x3400;
	[tilespmem:s14+$0x60] =	vst v13  }
0x98: {  	[tilespmem:s13], [sflag:$0x1] =	stream.indirect.gather [hbm4b:s3+s8], $0x1, s12, s8, $0xb8;
	[tilespmem:$0x6900] =	vst v63  }
0x99: {  	s17 =	simm.s32 $0x3480;
	s18 =	simm.s32 $0x80  }
0x9a: {  	[tilespmem:s17], [sflag:$0x1] =	stream.indirect.gather [hbm4b:s3+s8], $0x1, s18, s8, $0xb8;
	[tilespmem:$0x6900] =	vst v63  }
0x9b: {  	s19 =	simm.s32 $0x3500;
	s20 =	simm.s32 $0x100  }
0x9c: {  	[tilespmem:s19], [sflag:$0x1] =	stream.indirect.gather [hbm4b:s3+s8], $0x1, s20, s8, $0xb8;
	[tilespmem:$0x6900] =	vst v63  }
0x9d: {  	s21 =	simm.s32 $0x3580;
	s22 =	simm.s32 $0x180  }
0x9e: {  	[tilespmem:s21], [sflag:$0x1] =	stream.indirect.gather [hbm4b:s3+s8], $0x1, s22, s8, $0xb8;
	[tilespmem:$0x6900] =	vst v63  }
0x9f: {  	s23 =	simm.s32 $0x3600;
	s24 =	simm.s32 $0x200  }
0xa0: {  	[tilespmem:s23], [sflag:$0x1] =	stream.indirect.gather [hbm4b:s3+s8], $0x1, s24, s8, $0xb8;
	[tilespmem:$0x6900] =	vst v63  }
0xa1: {  	s25 =	simm.s32 $0x3680;
	s26 =	simm.s32 $0x280  }
0xa2: {  	[tilespmem:s25], [sflag:$0x1] =	stream.indirect.gather [hbm4b:s3+s8], $0x1, s26, s8, $0xb8;
	[tilespmem:$0x6900] =	vst v63  }
0xa3: {  	s28 =	simm.s32 $0x3700;
	s29 =	simm.s32 $0x300  }
0xa4: {  	[tilespmem:s28], [sflag:$0x1] =	stream.indirect.gather [hbm4b:s3+s8], $0x1, s29, s8, $0xb8;
	[tilespmem:$0x6900] =	vst v63  }
0xa5: {  	s30 =	simm.s32 $0x3780;
	s31 =	simm.s32 $0x380  }
0xa6: {  	[tilespmem:s30], [sflag:$0x1] =	stream.indirect.gather [hbm4b:s3+s8], $0x1, s31, s8, $0xb8;
	[tilespmem:$0x6900] =	vst v63  }
0xa7: {  	_ =	swait.ge [sflag:s9], $0x80  }
0xa8: {  	[sflag:s9] =	ssyncset.done $0x0  }
0xa9: {  	[sflag:s9] =	ssyncadd.s32 $0xFFFFFF80  }
0xaa: {  	_ =	swait.ge [sflag:s9], $0x80  }
0xab: {  	[sflag:s9] =	ssyncset.done $0x0  }
0xac: {  	[sflag:s9] =	ssyncadd.s32 $0xFFFFFF80  }
0xad: {  	_ =	swait.ge [sflag:s9], $0x80  }
0xae: {  	[sflag:s9] =	ssyncset.done $0x0  }
0xaf: {  	[sflag:s9] =	ssyncadd.s32 $0xFFFFFF80  }
0xb0: {  	_ =	swait.ge [sflag:s9], $0x80  }
0xb1: {  	[sflag:s9] =	ssyncset.done $0x0  }
0xb2: {  	[sflag:s9] =	ssyncadd.s32 $0xFFFFFF80  }
0xb3: {  	_ =	swait.ge [sflag:s9], $0x80  }
0xb4: {  	[sflag:s9] =	ssyncset.done $0x0  }
0xb5: {  	[sflag:s9] =	ssyncadd.s32 $0xFFFFFF80  }
0xb6: {  	_ =	swait.ge [sflag:s9], $0x80  }
0xb7: {  	[sflag:s9] =	ssyncset.done $0x0  }
0xb8: {  	[sflag:s9] =	ssyncadd.s32 $0xFFFFFF80  }
0xb9: {  	_ =	swait.ge [sflag:s9], $0x80  }
0xba: {  	[sflag:s9] =	ssyncset.done $0x0  }
0xbb: {  	[sflag:s9] =	ssyncadd.s32 $0xFFFFFF80  }
0xbc: {  	_ =	swait.ge [sflag:s9], $0x80  }
0xbd: {  	s15 =	simm.s32 $0x2000;
	s14 =	simm.s32 $0x400;
	[sflag:s9] =	ssyncset.done $0x0  }
.LBB2_4:
0xbe: {  	s16 =	sadd.s32 $0x3400, s14  }
0xbf: {  	[sflag:s9] =	ssyncadd.s32 $0xFFFFFF80;
	s13 =	smov.u32 s15;
	s12 =	sadd.s32 $0x1000, s15  }
0xc0: {  	[tilespmem:s16], [sflag:$0x1] =	stream.indirect.gather [hbm4b:s3+s8], $0x1, s14, s8, $0xb8;
	[tilespmem:$0x6900] =	vst v63  }
0xc1: {  	p0 =	sne.s32 s15, $0xC000;
	s15 =	sadd.s32 $0x3480, s14;
	s16 =	sadd.s32 $0x80, s14  }
0xc2: {  	[tilespmem:s15], [sflag:$0x1] =	stream.indirect.gather [hbm4b:s3+s8], $0x1, s16, s8, $0xb8;
	[tilespmem:$0x6900] =	vst v63  }
0xc3: {  	s15 =	sadd.s32 $0x3500, s14;
	s16 =	sadd.s32 $0x100, s14  }
0xc4: {  	[tilespmem:s15], [sflag:$0x1] =	stream.indirect.gather [hbm4b:s3+s8], $0x1, s16, s8, $0xb8;
	[tilespmem:$0x6900] =	vst v63  }
0xc5: {  	s15 =	sadd.s32 $0x3580, s14;
	s16 =	sadd.s32 $0x180, s14  }
0xc6: {  	[tilespmem:s15], [sflag:$0x1] =	stream.indirect.gather [hbm4b:s3+s8], $0x1, s16, s8, $0xb8;
	[tilespmem:$0x6900] =	vst v63  }
0xc7: {  	s15 =	sadd.s32 $0x3600, s14;
	s16 =	sadd.s32 $0x200, s14  }
0xc8: {  	[tilespmem:s15], [sflag:$0x1] =	stream.indirect.gather [hbm4b:s3+s8], $0x1, s16, s8, $0xb8;
	[tilespmem:$0x6900] =	vst v63  }
0xc9: {  	s15 =	sadd.s32 $0x3680, s14;
	s16 =	sadd.s32 $0x280, s14  }
0xca: {  	[tilespmem:s15], [sflag:$0x1] =	stream.indirect.gather [hbm4b:s3+s8], $0x1, s16, s8, $0xb8;
	[tilespmem:$0x6900] =	vst v63  }
0xcb: {  	s15 =	sadd.s32 $0x3700, s14;
	s16 =	sadd.s32 $0x300, s14  }
0xcc: {  	[tilespmem:s15], [sflag:$0x1] =	stream.indirect.gather [hbm4b:s3+s8], $0x1, s16, s8, $0xb8;
	[tilespmem:$0x6900] =	vst v63  }
0xcd: {  	s15 =	sadd.s32 $0x3780, s14;
	s14 =	sadd.s32 $0x380, s14  }
0xce: {  	[tilespmem:s15], [sflag:$0x1] =	stream.indirect.gather [hbm4b:s3+s8], $0x1, s14, s8, $0xb8;
	[tilespmem:$0x6900] =	vst v63  }
0xcf: {  	_ =	swait.ge [sflag:s9], $0x80  }
0xd0: {  	[sflag:s9] =	ssyncset.done $0x0  }
0xd1: {  	[sflag:s9] =	ssyncadd.s32 $0xFFFFFF80  }
0xd2: {  	_ =	swait.ge [sflag:s9], $0x80  }
0xd3: {  	[sflag:s9] =	ssyncset.done $0x0  }
0xd4: {  	[sflag:s9] =	ssyncadd.s32 $0xFFFFFF80  }
0xd5: {  	_ =	swait.ge [sflag:s9], $0x80  }
0xd6: {  	[sflag:s9] =	ssyncset.done $0x0  }
0xd7: {  	[sflag:s9] =	ssyncadd.s32 $0xFFFFFF80  }
0xd8: {  	_ =	swait.ge [sflag:s9], $0x80  }
0xd9: {  	[sflag:s9] =	ssyncset.done $0x0  }
0xda: {  	[sflag:s9] =	ssyncadd.s32 $0xFFFFFF80  }
0xdb: {  	_ =	swait.ge [sflag:s9], $0x80  }
0xdc: {  	[sflag:s9] =	ssyncset.done $0x0  }
0xdd: {  	[sflag:s9] =	ssyncadd.s32 $0xFFFFFF80  }
0xde: {  	_ =	swait.ge [sflag:s9], $0x80  }
0xdf: {  	[sflag:s9] =	ssyncset.done $0x0  }
0xe0: {  	[sflag:s9] =	ssyncadd.s32 $0xFFFFFF80  }
.Ltmp1:
0xe1: {  	_ =	swait.ge [sflag:s9], $0x80;
	(pc) =	sbr.rel @p0 .LBB2_4-.Ltmp1, $4  }
0xe2: {  	[sflag:s9] =	ssyncset.done $0x0  }
0xe3: {  	[sflag:s9] =	ssyncadd.s32 $0xFFFFFF80  }
0xe4: {  	_ =	swait.ge [sflag:s9], $0x80  }
0xe5: {  	s14 =	sshra.s32 s13, $0x2;
	s15 =	smov.u32 s12;
	[sflag:s9] =	ssyncset.done $0x0  }
0xe6: {  	s12 =	sadd.s32 $0x3400, s14;
	[sflag:s9] =	ssyncadd.s32 $0xFFFFFF80  }
0xe7: {  	[tilespmem:s12], [sflag:$0x1] =	stream.indirect.gather [hbm4b:s3+s8], $0x1, s14, s8, $0xb8;
	[tilespmem:$0x6900] =	vst v63  }
0xe8: {  	s18 =	sadd.s32 $0x3480, s14;
	s13 =	sadd.s32 $0x80, s14  }
0xe9: {  	[tilespmem:s18], [sflag:$0x1] =	stream.indirect.gather [hbm4b:s3+s8], $0x1, s13, s8, $0xb8;
	[tilespmem:$0x6900] =	vst v63  }
0xea: {  	s19 =	sadd.s32 $0x3500, s14;
	s20 =	sadd.s32 $0x100, s14  }
0xeb: {  	[tilespmem:s19], [sflag:$0x1] =	stream.indirect.gather [hbm4b:s3+s8], $0x1, s20, s8, $0xb8;
	[tilespmem:$0x6900] =	vst v63  }
0xec: {  	s21 =	sadd.s32 $0x3580, s14;
	s22 =	sadd.s32 $0x180, s14  }
0xed: {  	[tilespmem:s21], [sflag:$0x1] =	stream.indirect.gather [hbm4b:s3+s8], $0x1, s22, s8, $0xb8;
	[tilespmem:$0x6900] =	vst v63  }
0xee: {  	s23 =	sadd.s32 $0x3600, s14;
	s24 =	sadd.s32 $0x200, s14  }
0xef: {  	[tilespmem:s23], [sflag:$0x1] =	stream.indirect.gather [hbm4b:s3+s8], $0x1, s24, s8, $0xb8;
	[tilespmem:$0x6900] =	vst v63  }
0xf0: {  	s25 =	sadd.s32 $0x3680, s14;
	s26 =	sadd.s32 $0x280, s14  }
0xf1: {  	[tilespmem:s25], [sflag:$0x1] =	stream.indirect.gather [hbm4b:s3+s8], $0x1, s26, s8, $0xb8;
	[tilespmem:$0x6900] =	vst v63  }
0xf2: {  	s28 =	sadd.s32 $0x3700, s14;
	s29 =	sadd.s32 $0x300, s14  }
0xf3: {  	[tilespmem:s28], [sflag:$0x1] =	stream.indirect.gather [hbm4b:s3+s8], $0x1, s29, s8, $0xb8;
	[tilespmem:$0x6900] =	vst v63  }
0xf4: {  	s30 =	sadd.s32 $0x3780, s14;
	s31 =	sadd.s32 $0x380, s14  }
0xf5: {  	[tilespmem:s30], [sflag:$0x1] =	stream.indirect.gather [hbm4b:s3+s8], $0x1, s31, s8, $0xb8;
	[tilespmem:$0x6900] =	vst v63  }
0xf6: {  	_ =	swait.ge [sflag:s9], $0x80  }
0xf7: {  	[sflag:s9] =	ssyncset.done $0x0  }
0xf8: {  	[sflag:s9] =	ssyncadd.s32 $0xFFFFFF80  }
0xf9: {  	_ =	swait.ge [sflag:s9], $0x80  }
0xfa: {  	[sflag:s9] =	ssyncset.done $0x0  }
0xfb: {  	[sflag:s9] =	ssyncadd.s32 $0xFFFFFF80  }
0xfc: {  	_ =	swait.ge [sflag:s9], $0x80  }
0xfd: {  	[sflag:s9] =	ssyncset.done $0x0  }
0xfe: {  	[sflag:s9] =	ssyncadd.s32 $0xFFFFFF80  }
0xff: {  	_ =	swait.ge [sflag:s9], $0x80  }
0x100: {  	[sflag:s9] =	ssyncset.done $0x0  }
0x101: {  	[sflag:s9] =	ssyncadd.s32 $0xFFFFFF80  }
0x102: {  	_ =	swait.ge [sflag:s9], $0x80  }
0x103: {  	[sflag:s9] =	ssyncset.done $0x0  }
0x104: {  	[sflag:s9] =	ssyncadd.s32 $0xFFFFFF80  }
0x105: {  	_ =	swait.ge [sflag:s9], $0x80  }
0x106: {  	[sflag:s9] =	ssyncset.done $0x0  }
0x107: {  	[sflag:s9] =	ssyncadd.s32 $0xFFFFFF80  }
0x108: {  	_ =	swait.ge [sflag:s9], $0x80  }
0x109: {  	[sflag:s9] =	ssyncset.done $0x0  }
0x10a: {  	[sflag:s9] =	ssyncadd.s32 $0xFFFFFF80  }
0x10b: {  	s11 =	sadd.s32 $0x1, s11;
	_ =	swait.ge [sflag:s9], $0x80  }
0x10c: {  	p0 =	sne.s32 s11, s6;
	[sflag:s9] =	ssyncset.done $0x0  }
.Ltmp2:
0x10d: {  	[sflag:s9] =	ssyncadd.s32 $0xFFFFFF80;
	(pc) =	sbr.rel @p0 .LBB2_1-.Ltmp2, $4  }
0x10e: {  	[hbm4b:s5+s2] =	stream.linear.scatter [tilespmem:s10], [sflag:$0x2], $0x3400, $0x38;
	[tilespmem:$0x6900] =	vst v63  }
0x10f: {  	_ =	swait.ge [sflag:s7], $0x3400  }
0x110: {  	[sflag:s7] =	ssyncset.done $0x0  }
0x111: {  	[sflag:s7] =	ssyncadd.s32 $0xFFFFCC00  }
0x112: {  	_ =	sfence.sel $0x180000  }
0x113: {  	[bflag:$0x0] =	sbarrier.arrive $0xFFFF  }
0x114: {  	p0 =	sne.s32 s0, $0x0;
	_ =	strace $0x90000047  }
0x115: {  	s0 =	sadd.s32 @!p0 $0x100000, s1;
	[bflag:$0x2] =	sbarrier.arrive $0xFFFF  }
0x116: {  	[sflag:s0] =	ssyncadd.tile.s32 @!p0 $0x1;
	_ =	shalt  }
.Lfunc_end2:
_tile_overlayer_lowered:
.L_overlay_start_2:
0x117: {  	(tag) =	ssettag $0x2  }
0x118: {  	s0 =	rddreg [dreg:$0x0];
	s2 =	stileid.u32  }
0x119: {  	s1 =	rddreg [dreg:$0x1];
	p0 =	sne.s32 s2, $0x0  }
0x11a: {  	s3 =	rddreg [dreg:$0x2];
	[bflag:$0x3] =	sbarrier.arrive $0xFFFF;
	s2 =	simm.s32 @!p0 $0x1C02  }
0x11b: {  	[timem:s3], [sflag:s2] =	dma.local @!p0 [hbm:s0], s1  }
0x11c: {  	s0 =	simm.s32 @!p0 $0x2  }
0x11d: {  	_ =	swait.ge @!p0 [sflag:s0], s1  }
0x11e: {  	s1 =	ssub.s32 @!p0 $0x0, s1;
	[sflag:s0] =	ssyncset.done @!p0 $0x0  }
0x11f: {  	[sflag:s0] =	ssyncadd.s32 @!p0 s1  }
0x120: {  	[bflag:$0x3] =	sbarrier.arrive $0xFFFF  }
0x121: {  	_ =	shalt  }

</sc_bundles>
